<compile_context>
chip_gen: v7x
topology: tpu7x:2x2x1
jax: 0.10.2.dev20260603
libtpu: 0.0.44.dev20260713+nightly
codegen_flags: <defaults>
</compile_context>

<pallas_src>
import functools

import jax
import jax.numpy as jnp
from jax import lax
from jax.experimental import pallas as pl
from jax.experimental.pallas import tpu as pltpu
from jax.experimental.pallas import tpu_sc as plsc

NC = 2
NS = 16
NW = NC * NS
L = 16

N_UNITS = 10000
N_EDGES = 320000
NODE_DIM = 128
N_REL = 16

UPAD = 10240
UBLK = UPAD // 4
EPT = 10112
EPT_LAST = N_EDGES - (NW - 1) * EPT
PADD = 10240
ROWS = PADD // 128
NB = 10
RPB = ROWS // NB
ACC = 10240
DUMMY = N_UNITS
TBL = UBLK * 128
TBL_SLICE = TBL // NS
HSLICE = TBL_SLICE // 2


_XCH = (UBLK, UBLK, UBLK, N_UNITS - 3 * UBLK)


def _scores_body(x_hbm, w_ref, y_ref, c_ref, xb0, xb1, sem0, sem1):
    w = w_ref[...]
    xb = (xb0, xb1)
    sems = (sem0, sem1)

    def copy(j):
        return pltpu.make_async_copy(
            x_hbm.at[pl.ds(j * UBLK, _XCH[j]), :],
            xb[j % 2].at[pl.ds(0, _XCH[j]), :], sems[j % 2])

    copy(0).start()
    copy(1).start()
    ys, mls, mrs = [], [], []
    for j in range(4):
        copy(j).wait()
        yj = jnp.dot(xb[j % 2][pl.ds(0, _XCH[j]), :], w,
                     preferred_element_type=jnp.float32,
                     precision=lax.Precision.HIGHEST)
        if j + 2 < 4:
            copy(j + 2).start()
        mls.append(jnp.max(yj[:, :N_REL]))
        mrs.append(jnp.max(yj[:, N_REL:]))
        if _XCH[j] < UBLK:
            yj = jnp.concatenate(
                [yj, jnp.zeros((UBLK - _XCH[j], 2 * N_REL), jnp.float32)],
                axis=0)
        ys.append(yj)
    y_ref[...] = jnp.concatenate(ys, axis=1)
    c = (jnp.maximum(jnp.maximum(mls[0], mls[1]), jnp.maximum(mls[2], mls[3]))
         + jnp.maximum(jnp.maximum(mrs[0], mrs[1]),
                       jnp.maximum(mrs[2], mrs[3])))
    c_ref[0, 0] = jnp.maximum(c, 0.2 * c)


def _scores(x, w):
    return pl.pallas_call(
        _scores_body,
        out_shape=[
            jax.ShapeDtypeStruct((UBLK, 128), jnp.float32),
            jax.ShapeDtypeStruct((1, 1), jnp.float32),
        ],
        in_specs=[
            pl.BlockSpec(memory_space=pltpu.MemorySpace.HBM),
            pl.BlockSpec(memory_space=pltpu.VMEM),
        ],
        out_specs=[
            pl.BlockSpec(memory_space=pltpu.VMEM),
            pl.BlockSpec(memory_space=pltpu.SMEM),
        ],
        scratch_shapes=[
            pltpu.VMEM((UBLK, 128), jnp.float32),
            pltpu.VMEM((UBLK, 128), jnp.float32),
            pltpu.SemaphoreType.DMA,
            pltpu.SemaphoreType.DMA,
        ],
    )(x, w)


def _edge_body(tbl_hbm, hat_hbm, ei_hbm, typ_hbm, c_hbm,
               parts_hbm,
               edgeb, typb, ilb, irb, avb, bvb, hatb, accd, accn, cb,
               tbl_sh, sem_a, sem_b, sem_c, sem_g0, sem_g1):
    cid = lax.axis_index("c")
    sid = lax.axis_index("s")
    wid = sid * NC + cid
    e0 = wid * EPT
    last = wid == NW - 1

    off = sid * TBL_SLICE
    pltpu.async_copy(tbl_hbm.at[pl.ds(off, HSLICE)], avb, sem_a)
    pltpu.async_copy(tbl_hbm.at[pl.ds(off + HSLICE, HSLICE)], bvb, sem_a)
    pltpu.async_copy(hat_hbm, hatb, sem_b)
    pltpu.async_copy(c_hbm, cb, sem_b)

    @pl.when(jnp.logical_not(last))
    def _():
        pltpu.async_copy(ei_hbm.at[:, pl.ds(e0, EPT)],
                         edgeb.at[:, pl.ds(0, EPT)], sem_c)
        pltpu.async_copy(typ_hbm.at[pl.ds(e0, EPT)],
                         typb.at[pl.ds(0, EPT)], sem_c)

    @pl.when(last)
    def _():
        pltpu.async_copy(ei_hbm.at[:, pl.ds(e0, EPT_LAST)],
                         edgeb.at[:, pl.ds(0, EPT_LAST)], sem_c)
        pltpu.async_copy(typ_hbm.at[pl.ds(e0, EPT_LAST)],
                         typb.at[pl.ds(0, EPT_LAST)], sem_c)

    pltpu.make_async_copy(tbl_hbm.at[pl.ds(off, HSLICE)], avb, sem_a).wait()
    pltpu.make_async_copy(tbl_hbm.at[pl.ds(off + HSLICE, HSLICE)], bvb,
                          sem_a).wait()
    pltpu.async_copy(avb, tbl_sh.at[pl.ds(off, HSLICE)], sem_a)
    pltpu.async_copy(bvb, tbl_sh.at[pl.ds(off + HSLICE, HSLICE)], sem_a)

    zero = jnp.zeros((L,), jnp.float32)

    def zbody(i, _):
        accd[pl.ds(i * L, L)] = zero
        accn[pl.ds(i * L, L)] = zero
        return 0

    lax.fori_loop(0, ACC // L, zbody, 0)

    @pl.when(jnp.logical_not(last))
    def _():
        pltpu.make_async_copy(ei_hbm.at[:, pl.ds(e0, EPT)],
                              edgeb.at[:, pl.ds(0, EPT)], sem_c).wait()
        pltpu.make_async_copy(typ_hbm.at[pl.ds(e0, EPT)],
                              typb.at[pl.ds(0, EPT)], sem_c).wait()

    @pl.when(last)
    def _():
        pltpu.make_async_copy(ei_hbm.at[:, pl.ds(e0, EPT_LAST)],
                              edgeb.at[:, pl.ds(0, EPT_LAST)], sem_c).wait()
        pltpu.make_async_copy(typ_hbm.at[pl.ds(e0, EPT_LAST)],
                              typb.at[pl.ds(0, EPT_LAST)], sem_c).wait()

    dummy = jnp.full((L,), DUMMY, jnp.int32)
    izero = jnp.zeros((L,), jnp.int32)
    ne = jnp.where(last, EPT_LAST, EPT)

    def tbody(i, _):
        k = i * L
        edgeb[0, pl.ds(k, L)] = dummy
        edgeb[1, pl.ds(k, L)] = izero
        typb[pl.ds(k, L)] = izero
        return 0

    lax.fori_loop(ne // L, PADD // L, tbody, 0)

    def ibody(i, _):
        k = i * L
        t16 = typb[pl.ds(k, L)]
        s16 = edgeb[0, pl.ds(k, L)]
        d16 = edgeb[1, pl.ds(k, L)]
        one = jnp.ones((L,), jnp.int32)
        zer = jnp.zeros((L,), jnp.int32)
        sq = (jnp.where(s16 >= UBLK, one, zer)
              + jnp.where(s16 >= 2 * UBLK, one, zer)
              + jnp.where(s16 >= 3 * UBLK, one, zer))
        dq = (jnp.where(d16 >= UBLK, one, zer)
              + jnp.where(d16 >= 2 * UBLK, one, zer)
              + jnp.where(d16 >= 3 * UBLK, one, zer))
        ilb[pl.ds(k, L)] = (s16 - sq * UBLK) * 128 + sq * 32 + t16
        irb[pl.ds(k, L)] = (d16 - dq * UBLK) * 128 + dq * 32 + (t16 + N_REL)
        return 0

    lax.fori_loop(0, PADD // L, ibody, 0)

    pltpu.make_async_copy(avb, tbl_sh.at[pl.ds(off, HSLICE)], sem_a).wait()
    pltpu.make_async_copy(bvb, tbl_sh.at[pl.ds(off + HSLICE, HSLICE)],
                          sem_a).wait()
    pltpu.make_async_copy(hat_hbm, hatb, sem_b).wait()
    pltpu.make_async_copy(c_hbm, cb, sem_b).wait()
    cvec = cb[...]

    plsc.subcore_barrier()

    def fire_block(b, sem):
        def fire(r, _):
            k = (b * RPB + r) * 128
            pltpu.async_copy(tbl_sh.at[ilb.at[pl.ds(k, 128)]],
                             avb.at[pl.ds(k, 128)], sem)
            pltpu.async_copy(tbl_sh.at[irb.at[pl.ds(k, 128)]],
                             bvb.at[pl.ds(k, 128)], sem)
            return 0
        lax.fori_loop(0, RPB, fire, 0)

    def drain_block(b, sem):
        def drain(r, _):
            k = (b * RPB + r) * 128
            pltpu.make_async_copy(tbl_sh.at[ilb.at[pl.ds(k, 128)]],
                                  avb.at[pl.ds(k, 128)], sem).wait()
            pltpu.make_async_copy(tbl_sh.at[irb.at[pl.ds(k, 128)]],
                                  bvb.at[pl.ds(k, 128)], sem).wait()
            return 0
        lax.fori_loop(0, RPB, drain, 0)

    def compute_block(b):
        def ebody(i, _):
            k = b * RPB * 128 + i * L
            s = avb[pl.ds(k, L)] + bvb[pl.ds(k, L)]
            e = jnp.maximum(s, 0.2 * s)
            ex = jnp.exp(e - cvec)
            h = plsc.load_gather(hatb, [edgeb[1, pl.ds(k, L)]])
            s16 = edgeb[0, pl.ds(k, L)]
            plsc.addupdate_scatter(accd, [s16], ex)
            plsc.addupdate_scatter(accn, [s16], ex * h)
            return 0
        lax.fori_loop(0, RPB * 128 // L, ebody, 0)

    fire_block(0, sem_g0)

    def pipe(bp, _):
        b0 = bp * 2

        @pl.when(b0 + 1 < NB)
        def _():
            fire_block(b0 + 1, sem_g1)

        drain_block(b0, sem_g0)
        compute_block(b0)

        @pl.when(b0 + 2 < NB)
        def _():
            fire_block(b0 + 2, sem_g0)

        @pl.when(b0 + 1 < NB)
        def _():
            drain_block(b0 + 1, sem_g1)
            compute_block(b0 + 1)

        return 0

    lax.fori_loop(0, (NB + 1) // 2, pipe, 0)

    pltpu.sync_copy(accd, parts_hbm.at[pl.ds(wid * 2 * ACC, ACC)])
    pltpu.sync_copy(accn, parts_hbm.at[pl.ds(wid * 2 * ACC + ACC, ACC)])


@functools.cache
def _edge_kernel():
  return functools.partial(
    pl.kernel,
    out_type=jax.ShapeDtypeStruct((NW * 2 * ACC,), jnp.float32),
    mesh=plsc.VectorSubcoreMesh(core_axis_name="c", subcore_axis_name="s",
                                num_cores=NC, num_subcores=NS),
    compiler_params=pltpu.CompilerParams(needs_layout_passes=False),
    scratch_types=[
        pltpu.VMEM((2, PADD), jnp.int32),
        pltpu.VMEM((PADD,), jnp.int32),
        pltpu.VMEM((PADD,), jnp.int32),
        pltpu.VMEM((PADD,), jnp.int32),
        pltpu.VMEM((PADD,), jnp.float32),
        pltpu.VMEM((PADD,), jnp.float32),
        pltpu.VMEM((N_UNITS,), jnp.float32),
        pltpu.VMEM((ACC,), jnp.float32),
        pltpu.VMEM((ACC,), jnp.float32),
        pltpu.VMEM((L,), jnp.float32),
        pltpu.VMEM_SHARED((TBL,), jnp.float32),
        pltpu.SemaphoreType.DMA,
        pltpu.SemaphoreType.DMA,
        pltpu.SemaphoreType.DMA,
        pltpu.SemaphoreType.DMA,
        pltpu.SemaphoreType.DMA,
    ],
  )(_edge_body)


def _combine_body(p_ref, o_ref):
    den = p_ref[pl.ds(0, ROWS), :]
    num = p_ref[pl.ds(ROWS, ROWS), :]
    for w in range(1, NW):
        den = den + p_ref[pl.ds(w * 2 * ROWS, ROWS), :]
        num = num + p_ref[pl.ds(w * 2 * ROWS + ROWS, ROWS), :]
    o_ref[...] = jnp.where(den != 0.0, num / den, 0.0)


def _combine(parts):
    return pl.pallas_call(
        _combine_body,
        out_shape=jax.ShapeDtypeStruct((ROWS, 128), jnp.float32),
    )(parts)


def kernel(x_unit_base, hat_t, rel_edge_index, rel_edge_type, a_r_params):
    w = jnp.concatenate([a_r_params[:, :NODE_DIM].T,
                         a_r_params[:, NODE_DIM:].T], axis=1)
    y, c = _scores(x_unit_base, w)
    tbl_flat = y.reshape(-1)
    cvec = jnp.broadcast_to(c.reshape(()), (L,))

    parts = _edge_kernel()(tbl_flat, hat_t, rel_edge_index, rel_edge_type,
                           cvec)
    g = _combine(parts.reshape(NW * 2 * ROWS, 128))
    return g.reshape(-1)[:N_UNITS, None]

# --- scband reference (transcript-rebuilt; emitter-appended) ---
"""Pipeline reference for scband-interference-modeling-v1-33827162423519 (READ-ONLY COPY).

The authoritative reference and input builder live on the scoring server;
editing this copy changes nothing except your own understanding.
"""

import jax, jax.numpy as jnp
import numpy as np
import math

N_UNITS = 10000
N_EDGES = 320000
NODE_DIM = 128
N_REL_TYPES = 16


def setup_inputs(seed: int = 0) -> dict:
    key = jax.random.key(seed)
    k1, k2, k3, k4, k5 = jax.random.split(key, 5)
    x_unit_base = jax.random.normal(k1, (N_UNITS, NODE_DIM), dtype=jnp.float32)
    hat_t = jax.random.normal(k2, (N_UNITS,), dtype=jnp.float32)
    rel_edge_index = jax.random.randint(k3, (2, N_EDGES), 0, N_UNITS)
    rel_edge_type = jax.random.randint(k4, (N_EDGES,), 0, N_REL_TYPES)
    # xavier_uniform init for a_r_params [n_rel_types, 2*node_dim]
    fan_in = 2 * NODE_DIM
    fan_out = N_REL_TYPES
    bound = math.sqrt(6.0 / (fan_in + fan_out))
    a_r_params = jax.random.uniform(k5, (N_REL_TYPES, 2 * NODE_DIM), dtype=jnp.float32, minval=-bound, maxval=bound)
    return {
        "x_unit_base": x_unit_base,
        "hat_t": hat_t,
        "rel_edge_index": rel_edge_index,
        "rel_edge_type": rel_edge_type,
        "a_r_params": a_r_params,
    }


def _scatter_softmax(e, src, num_segments):
    m = jax.ops.segment_max(e, src, num_segments=num_segments)
    ex = jnp.exp(e - m[src])
    denom = jax.ops.segment_sum(ex, src, num_segments=num_segments)
    return ex / denom[src]


def reference(x_unit_base, hat_t, rel_edge_index, rel_edge_type, a_r_params):
    n_units = x_unit_base.shape[0]
    src = rel_edge_index[0]
    dst = rel_edge_index[1]
    # RelationalAttention
    x_u = x_unit_base[src]
    x_v = x_unit_base[dst]
    x_uv_concat = jnp.concatenate([x_u, x_v], axis=-1)
    a_r = a_r_params[rel_edge_type]
    e_activated = jax.nn.leaky_relu(jnp.sum(a_r * x_uv_concat, axis=-1), negative_slope=0.2)
    alpha = _scatter_softmax(e_activated, src, n_units)
    # Interference aggregation
    hat_t_v = hat_t[dst]
    weighted_t = alpha * hat_t_v
    g_u = jax.ops.segment_sum(weighted_t, src, num_segments=n_units)
    return g_u[:, None]

if __name__ == "__main__":
    import jax
    _d = setup_inputs()
    print(jax.jit(kernel)(*tuple(_d.values())))

</pallas_src>

<mosaic_0001>
#map = affine_map<(d0, d1) -> (0)>
#map1 = affine_map<(d0, d1) -> (0, 0)>
module attributes {stable_mosaic.version = 14 : i64} {
  func.func @_edge_body(%arg0: i32, %arg1: i32, %arg2: memref<327680xf32, #tpu.memory_space<hbm>>, %arg3: memref<10000xf32, #tpu.memory_space<hbm>>, %arg4: memref<2x320000xi32, #tpu.memory_space<hbm>>, %arg5: memref<320000xi32, #tpu.memory_space<hbm>>, %arg6: memref<16xf32, #tpu.memory_space<hbm>>, %arg7: memref<655360xf32, #tpu.memory_space<hbm>>, %arg8: memref<2x10240xi32, #tpu.memory_space<vmem>>, %arg9: memref<10240xi32, #tpu.memory_space<vmem>>, %arg10: memref<10240xi32, #tpu.memory_space<vmem>>, %arg11: memref<10240xi32, #tpu.memory_space<vmem>>, %arg12: memref<10240xf32, #tpu.memory_space<vmem>>, %arg13: memref<10240xf32, #tpu.memory_space<vmem>>, %arg14: memref<10000xf32, #tpu.memory_space<vmem>>, %arg15: memref<10240xf32, #tpu.memory_space<vmem>>, %arg16: memref<10240xf32, #tpu.memory_space<vmem>>, %arg17: memref<16xf32, #tpu.memory_space<vmem>>, %arg18: memref<327680xf32, #tpu.memory_space<vmem_shared>>, %arg19: memref<!tpu.dma_semaphore, #tpu.memory_space<semaphore_mem>>, %arg20: memref<!tpu.dma_semaphore, #tpu.memory_space<semaphore_mem>>, %arg21: memref<!tpu.dma_semaphore, #tpu.memory_space<semaphore_mem>>, %arg22: memref<!tpu.dma_semaphore, #tpu.memory_space<semaphore_mem>>, %arg23: memref<!tpu.dma_semaphore, #tpu.memory_space<semaphore_mem>>) attributes {dimension_semantics = [#tpu.dimension_semantics<core_parallel>, #tpu.dimension_semantics<subcore_parallel>], iteration_bounds = array<i64: 2, 16>, scalar_prefetch = 0 : i64, scratch_operands = 16 : i64, tpu.core_type = #tpu.core_type<sc_vector_subcore>, window_params = [{transform_indices = #map}, {transform_indices = #map}, {transform_indices = #map1}, {transform_indices = #map}, {transform_indices = #map}, {transform_indices = #map}]} {
    %mul3A = arith.constant 2 : i32
    %mul3A_0 = arith.muli %arg1, %mul3A : i32
    %add3A = arith.addi %mul3A_0, %arg0 : i32
    %mul3A_1 = arith.constant 10112 : i32
    %mul3A_2 = arith.muli %add3A, %mul3A_1 : i32
    %eq3A = arith.constant 31 : i32
    %eq3A_3 = arith.cmpi eq, %add3A, %eq3A : i32
    %mul3A_4 = arith.constant 20480 : i32
    %mul3A_5 = arith.muli %arg1, %mul3A_4 : i32
    %dma_start3A = tpu.memref_slice %arg2[%mul3A_5] : memref<327680xf32, #tpu.memory_space<hbm>> -> memref<10240xf32, #tpu.memory_space<hbm>>
    %dma_start3A_6 = tpu.memref_slice %arg2[%mul3A_5] : memref<327680xf32, #tpu.memory_space<hbm>> -> memref<10240xf32, #tpu.memory_space<hbm>>
    tpu.enqueue_dma source(%dma_start3A_6 : memref<10240xf32, #tpu.memory_space<hbm>>) target(%arg12 : memref<10240xf32, #tpu.memory_space<vmem>>) target_semaphore(%arg19 : memref<!tpu.dma_semaphore, #tpu.memory_space<semaphore_mem>>)
    %add3A_7 = arith.constant 10240 : i32
    %add3A_8 = arith.addi %mul3A_5, %add3A_7 : i32
    %dma_start3A_9 = tpu.memref_slice %arg2[%add3A_8] : memref<327680xf32, #tpu.memory_space<hbm>> -> memref<10240xf32, #tpu.memory_space<hbm>>
    %dma_start3A_10 = tpu.memref_slice %arg2[%add3A_8] : memref<327680xf32, #tpu.memory_space<hbm>> -> memref<10240xf32, #tpu.memory_space<hbm>>
    tpu.enqueue_dma source(%dma_start3A_10 : memref<10240xf32, #tpu.memory_space<hbm>>) target(%arg13 : memref<10240xf32, #tpu.memory_space<vmem>>) target_semaphore(%arg19 : memref<!tpu.dma_semaphore, #tpu.memory_space<semaphore_mem>>)
    tpu.enqueue_dma source(%arg3 : memref<10000xf32, #tpu.memory_space<hbm>>) target(%arg14 : memref<10000xf32, #tpu.memory_space<vmem>>) target_semaphore(%arg20 : memref<!tpu.dma_semaphore, #tpu.memory_space<semaphore_mem>>)
    tpu.enqueue_dma source(%arg6 : memref<16xf32, #tpu.memory_space<hbm>>) target(%arg17 : memref<16xf32, #tpu.memory_space<vmem>>) target_semaphore(%arg20 : memref<!tpu.dma_semaphore, #tpu.memory_space<semaphore_mem>>)
    %not3A = arith.constant true
    %not3A_11 = arith.xori %eq3A_3, %not3A : i1
    %convert_element_type3A = arith.extui %not3A_11 : i1 to i32
    %cond3A = arith.constant 0 : i32
    %cond3A_12 = arith.cmpi ne, %convert_element_type3A, %cond3A : i32
    scf.if %cond3A_12 {
      %dma_start3A_114 = arith.constant 0 : i32
      %dma_start3A_115 = arith.constant 0 : i32
      %dma_start3A_116 = tpu.memref_slice %arg8[%dma_start3A_114, %dma_start3A_115] : memref<2x10240xi32, #tpu.memory_space<vmem>> -> memref<2x10112xi32, #tpu.memory_space<vmem>>
      %dma_start3A_117 = arith.constant 0 : i32
      %dma_start3A_118 = tpu.memref_slice %arg4[%dma_start3A_117, %mul3A_2] : memref<2x320000xi32, #tpu.memory_space<hbm>> -> memref<2x10112xi32, #tpu.memory_space<hbm>>
      %dma_start3A_119 = arith.constant 0 : i32
      %dma_start3A_120 = arith.constant 0 : i32
      %dma_start3A_121 = tpu.memref_slice %arg8[%dma_start3A_119, %dma_start3A_120] : memref<2x10240xi32, #tpu.memory_space<vmem>> -> memref<2x10112xi32, #tpu.memory_space<vmem>>
      %dma_start3A_122 = arith.constant 0 : i32
      %dma_start3A_123 = tpu.memref_slice %arg4[%dma_start3A_122, %mul3A_2] : memref<2x320000xi32, #tpu.memory_space<hbm>> -> memref<2x10112xi32, #tpu.memory_space<hbm>>
      tpu.enqueue_dma source(%dma_start3A_123 : memref<2x10112xi32, #tpu.memory_space<hbm>>) target(%dma_start3A_121 : memref<2x10112xi32, #tpu.memory_space<vmem>>) target_semaphore(%arg21 : memref<!tpu.dma_semaphore, #tpu.memory_space<semaphore_mem>>)
      %dma_start3A_124 = arith.constant 0 : i32
      %dma_start3A_125 = tpu.memref_slice %arg9[%dma_start3A_124] : memref<10240xi32, #tpu.memory_space<vmem>> -> memref<10112xi32, #tpu.memory_space<vmem>>
      %dma_start3A_126 = tpu.memref_slice %arg5[%mul3A_2] : memref<320000xi32, #tpu.memory_space<hbm>> -> memref<10112xi32, #tpu.memory_space<hbm>>
      %dma_start3A_127 = arith.constant 0 : i32
      %dma_start3A_128 = tpu.memref_slice %arg9[%dma_start3A_127] : memref<10240xi32, #tpu.memory_space<vmem>> -> memref<10112xi32, #tpu.memory_space<vmem>>
      %dma_start3A_129 = tpu.memref_slice %arg5[%mul3A_2] : memref<320000xi32, #tpu.memory_space<hbm>> -> memref<10112xi32, #tpu.memory_space<hbm>>
      tpu.enqueue_dma source(%dma_start3A_129 : memref<10112xi32, #tpu.memory_space<hbm>>) target(%dma_start3A_128 : memref<10112xi32, #tpu.memory_space<vmem>>) target_semaphore(%arg21 : memref<!tpu.dma_semaphore, #tpu.memory_space<semaphore_mem>>)
    } else {
    }
    %convert_element_type3A_13 = arith.extui %eq3A_3 : i1 to i32
    %cond3A_14 = arith.constant 0 : i32
    %cond3A_15 = arith.cmpi ne, %convert_element_type3A_13, %cond3A_14 : i32
    scf.if %cond3A_15 {
      %dma_start3A_114 = arith.constant 0 : i32
      %dma_start3A_115 = arith.constant 0 : i32
      %dma_start3A_116 = tpu.memref_slice %arg8[%dma_start3A_114, %dma_start3A_115] : memref<2x10240xi32, #tpu.memory_space<vmem>> -> memref<2x6528xi32, #tpu.memory_space<vmem>>
      %dma_start3A_117 = arith.constant 0 : i32
      %dma_start3A_118 = tpu.memref_slice %arg4[%dma_start3A_117, %mul3A_2] : memref<2x320000xi32, #tpu.memory_space<hbm>> -> memref<2x6528xi32, #tpu.memory_space<hbm>>
      %dma_start3A_119 = arith.constant 0 : i32
      %dma_start3A_120 = arith.constant 0 : i32
      %dma_start3A_121 = tpu.memref_slice %arg8[%dma_start3A_119, %dma_start3A_120] : memref<2x10240xi32, #tpu.memory_space<vmem>> -> memref<2x6528xi32, #tpu.memory_space<vmem>>
      %dma_start3A_122 = arith.constant 0 : i32
      %dma_start3A_123 = tpu.memref_slice %arg4[%dma_start3A_122, %mul3A_2] : memref<2x320000xi32, #tpu.memory_space<hbm>> -> memref<2x6528xi32, #tpu.memory_space<hbm>>
      tpu.enqueue_dma source(%dma_start3A_123 : memref<2x6528xi32, #tpu.memory_space<hbm>>) target(%dma_start3A_121 : memref<2x6528xi32, #tpu.memory_space<vmem>>) target_semaphore(%arg21 : memref<!tpu.dma_semaphore, #tpu.memory_space<semaphore_mem>>)
      %dma_start3A_124 = arith.constant 0 : i32
      %dma_start3A_125 = tpu.memref_slice %arg9[%dma_start3A_124] : memref<10240xi32, #tpu.memory_space<vmem>> -> memref<6528xi32, #tpu.memory_space<vmem>>
      %dma_start3A_126 = tpu.memref_slice %arg5[%mul3A_2] : memref<320000xi32, #tpu.memory_space<hbm>> -> memref<6528xi32, #tpu.memory_space<hbm>>
      %dma_start3A_127 = arith.constant 0 : i32
      %dma_start3A_128 = tpu.memref_slice %arg9[%dma_start3A_127] : memref<10240xi32, #tpu.memory_space<vmem>> -> memref<6528xi32, #tpu.memory_space<vmem>>
      %dma_start3A_129 = tpu.memref_slice %arg5[%mul3A_2] : memref<320000xi32, #tpu.memory_space<hbm>> -> memref<6528xi32, #tpu.memory_space<hbm>>
      tpu.enqueue_dma source(%dma_start3A_129 : memref<6528xi32, #tpu.memory_space<hbm>>) target(%dma_start3A_128 : memref<6528xi32, #tpu.memory_space<vmem>>) target_semaphore(%arg21 : memref<!tpu.dma_semaphore, #tpu.memory_space<semaphore_mem>>)
    } else {
    }
    %dma_wait3A = tpu.memref_slice %arg2[%mul3A_5] : memref<327680xf32, #tpu.memory_space<hbm>> -> memref<10240xf32, #tpu.memory_space<hbm>>
    %dma_wait3A_16 = tpu.memref_slice %arg2[%mul3A_5] : memref<327680xf32, #tpu.memory_space<hbm>> -> memref<10240xf32, #tpu.memory_space<hbm>>
    tpu.wait_dma2 semaphore(%arg19 : memref<!tpu.dma_semaphore, #tpu.memory_space<semaphore_mem>>) src(%dma_wait3A_16 : memref<10240xf32, #tpu.memory_space<hbm>>) dst(%arg12 : memref<10240xf32, #tpu.memory_space<vmem>>)
    %add3A_17 = arith.constant 10240 : i32
    %add3A_18 = arith.addi %mul3A_5, %add3A_17 : i32
    %dma_wait3A_19 = tpu.memref_slice %arg2[%add3A_18] : memref<327680xf32, #tpu.memory_space<hbm>> -> memref<10240xf32, #tpu.memory_space<hbm>>
    %dma_wait3A_20 = tpu.memref_slice %arg2[%add3A_18] : memref<327680xf32, #tpu.memory_space<hbm>> -> memref<10240xf32, #tpu.memory_space<hbm>>
    tpu.wait_dma2 semaphore(%arg19 : memref<!tpu.dma_semaphore, #tpu.memory_space<semaphore_mem>>) src(%dma_wait3A_20 : memref<10240xf32, #tpu.memory_space<hbm>>) dst(%arg13 : memref<10240xf32, #tpu.memory_space<vmem>>)
    %dma_start3A_21 = tpu.memref_slice %arg18[%mul3A_5] : memref<327680xf32, #tpu.memory_space<vmem_shared>> -> memref<10240xf32, #tpu.memory_space<vmem_shared>>
    %dma_start3A_22 = tpu.memref_slice %arg18[%mul3A_5] : memref<327680xf32, #tpu.memory_space<vmem_shared>> -> memref<10240xf32, #tpu.memory_space<vmem_shared>>
    tpu.enqueue_dma source(%arg12 : memref<10240xf32, #tpu.memory_space<vmem>>) target(%dma_start3A_22 : memref<10240xf32, #tpu.memory_space<vmem_shared>>) target_semaphore(%arg19 : memref<!tpu.dma_semaphore, #tpu.memory_space<semaphore_mem>>)
    %add3A_23 = arith.constant 10240 : i32
    %add3A_24 = arith.addi %mul3A_5, %add3A_23 : i32
    %dma_start3A_25 = tpu.memref_slice %arg18[%add3A_24] : memref<327680xf32, #tpu.memory_space<vmem_shared>> -> memref<10240xf32, #tpu.memory_space<vmem_shared>>
    %dma_start3A_26 = tpu.memref_slice %arg18[%add3A_24] : memref<327680xf32, #tpu.memory_space<vmem_shared>> -> memref<10240xf32, #tpu.memory_space<vmem_shared>>
    tpu.enqueue_dma source(%arg13 : memref<10240xf32, #tpu.memory_space<vmem>>) target(%dma_start3A_26 : memref<10240xf32, #tpu.memory_space<vmem_shared>>) target_semaphore(%arg19 : memref<!tpu.dma_semaphore, #tpu.memory_space<semaphore_mem>>)
    %broadcast_in_dim3A = arith.constant 0.000000e+00 : f32
    %broadcast_in_dim3A_27 = vector.broadcast %broadcast_in_dim3A : f32 to vector<16xf32>
    %scan3A = arith.constant 0 : i32
    %scan3A_28 = arith.constant 0 : i32
    %scan3A_29 = arith.constant 640 : i32
    %scan3A_30 = arith.addi %scan3A_28, %scan3A_29 : i32
    %scan3A_31 = arith.constant 1 : i32
    %scan3A_32 = scf.for %scan3A_114 = %scan3A_28 to %scan3A_30 step %scan3A_31 iter_args(%scan3A_115 = %scan3A) -> (i32)  : i32 {
      %mul3A_116 = arith.constant 16 : i32
      %mul3A_117 = arith.muli %scan3A_114, %mul3A_116 : i32
      %swap3A = arith.index_cast %mul3A_117 : i32 to index
      %swap3A_118 = tpu.vector_load %arg15[%swap3A] {strides = array<i32>} : memref<10240xf32, #tpu.memory_space<vmem>>, vector<16xf32>,
      tpu.vector_store %arg15[%swap3A], %broadcast_in_dim3A_27 {strides = array<i32>} : memref<10240xf32, #tpu.memory_space<vmem>>, vector<16xf32>,
      %mul3A_119 = arith.constant 16 : i32
      %mul3A_120 = arith.muli %scan3A_114, %mul3A_119 : i32
      %swap3A_121 = arith.index_cast %mul3A_120 : i32 to index
      %swap3A_122 = tpu.vector_load %arg16[%swap3A_121] {strides = array<i32>} : memref<10240xf32, #tpu.memory_space<vmem>>, vector<16xf32>,
      tpu.vector_store %arg16[%swap3A_121], %broadcast_in_dim3A_27 {strides = array<i32>} : memref<10240xf32, #tpu.memory_space<vmem>>, vector<16xf32>,
      %scan3A_123 = arith.constant 0 : i32
      scf.yield %scan3A_123 : i32
    }
    %scan3A_33 = arith.constant 640 : i32
    %not3A_34 = arith.constant true
    %not3A_35 = arith.xori %eq3A_3, %not3A_34 : i1
    %convert_element_type3A_36 = arith.extui %not3A_35 : i1 to i32
    %cond3A_37 = arith.constant 0 : i32
    %cond3A_38 = arith.cmpi ne, %convert_element_type3A_36, %cond3A_37 : i32
    scf.if %cond3A_38 {
      %dma_wait3A_114 = arith.constant 0 : i32
      %dma_wait3A_115 = arith.constant 0 : i32
      %dma_wait3A_116 = tpu.memref_slice %arg8[%dma_wait3A_114, %dma_wait3A_115] : memref<2x10240xi32, #tpu.memory_space<vmem>> -> memref<2x10112xi32, #tpu.memory_space<vmem>>
      %dma_wait3A_117 = arith.constant 0 : i32
      %dma_wait3A_118 = tpu.memref_slice %arg4[%dma_wait3A_117, %mul3A_2] : memref<2x320000xi32, #tpu.memory_space<hbm>> -> memref<2x10112xi32, #tpu.memory_space<hbm>>
      %dma_wait3A_119 = arith.constant 0 : i32
      %dma_wait3A_120 = arith.constant 0 : i32
      %dma_wait3A_121 = tpu.memref_slice %arg8[%dma_wait3A_119, %dma_wait3A_120] : memref<2x10240xi32, #tpu.memory_space<vmem>> -> memref<2x10112xi32, #tpu.memory_space<vmem>>
      %dma_wait3A_122 = arith.constant 0 : i32
      %dma_wait3A_123 = tpu.memref_slice %arg4[%dma_wait3A_122, %mul3A_2] : memref<2x320000xi32, #tpu.memory_space<hbm>> -> memref<2x10112xi32, #tpu.memory_space<hbm>>
      tpu.wait_dma2 semaphore(%arg21 : memref<!tpu.dma_semaphore, #tpu.memory_space<semaphore_mem>>) src(%dma_wait3A_123 : memref<2x10112xi32, #tpu.memory_space<hbm>>) dst(%dma_wait3A_121 : memref<2x10112xi32, #tpu.memory_space<vmem>>)
      %dma_wait3A_124 = arith.constant 0 : i32
      %dma_wait3A_125 = tpu.memref_slice %arg9[%dma_wait3A_124] : memref<10240xi32, #tpu.memory_space<vmem>> -> memref<10112xi32, #tpu.memory_space<vmem>>
      %dma_wait3A_126 = tpu.memref_slice %arg5[%mul3A_2] : memref<320000xi32, #tpu.memory_space<hbm>> -> memref<10112xi32, #tpu.memory_space<hbm>>
      %dma_wait3A_127 = arith.constant 0 : i32
      %dma_wait3A_128 = tpu.memref_slice %arg9[%dma_wait3A_127] : memref<10240xi32, #tpu.memory_space<vmem>> -> memref<10112xi32, #tpu.memory_space<vmem>>
      %dma_wait3A_129 = tpu.memref_slice %arg5[%mul3A_2] : memref<320000xi32, #tpu.memory_space<hbm>> -> memref<10112xi32, #tpu.memory_space<hbm>>
      tpu.wait_dma2 semaphore(%arg21 : memref<!tpu.dma_semaphore, #tpu.memory_space<semaphore_mem>>) src(%dma_wait3A_129 : memref<10112xi32, #tpu.memory_space<hbm>>) dst(%dma_wait3A_128 : memref<10112xi32, #tpu.memory_space<vmem>>)
    } else {
    }
    %convert_element_type3A_39 = arith.extui %eq3A_3 : i1 to i32
    %cond3A_40 = arith.constant 0 : i32
    %cond3A_41 = arith.cmpi ne, %convert_element_type3A_39, %cond3A_40 : i32
    scf.if %cond3A_41 {
      %dma_wait3A_114 = arith.constant 0 : i32
      %dma_wait3A_115 = arith.constant 0 : i32
      %dma_wait3A_116 = tpu.memref_slice %arg8[%dma_wait3A_114, %dma_wait3A_115] : memref<2x10240xi32, #tpu.memory_space<vmem>> -> memref<2x6528xi32, #tpu.memory_space<vmem>>
      %dma_wait3A_117 = arith.constant 0 : i32
      %dma_wait3A_118 = tpu.memref_slice %arg4[%dma_wait3A_117, %mul3A_2] : memref<2x320000xi32, #tpu.memory_space<hbm>> -> memref<2x6528xi32, #tpu.memory_space<hbm>>
      %dma_wait3A_119 = arith.constant 0 : i32
      %dma_wait3A_120 = arith.constant 0 : i32
      %dma_wait3A_121 = tpu.memref_slice %arg8[%dma_wait3A_119, %dma_wait3A_120] : memref<2x10240xi32, #tpu.memory_space<vmem>> -> memref<2x6528xi32, #tpu.memory_space<vmem>>
      %dma_wait3A_122 = arith.constant 0 : i32
      %dma_wait3A_123 = tpu.memref_slice %arg4[%dma_wait3A_122, %mul3A_2] : memref<2x320000xi32, #tpu.memory_space<hbm>> -> memref<2x6528xi32, #tpu.memory_space<hbm>>
      tpu.wait_dma2 semaphore(%arg21 : memref<!tpu.dma_semaphore, #tpu.memory_space<semaphore_mem>>) src(%dma_wait3A_123 : memref<2x6528xi32, #tpu.memory_space<hbm>>) dst(%dma_wait3A_121 : memref<2x6528xi32, #tpu.memory_space<vmem>>)
      %dma_wait3A_124 = arith.constant 0 : i32
      %dma_wait3A_125 = tpu.memref_slice %arg9[%dma_wait3A_124] : memref<10240xi32, #tpu.memory_space<vmem>> -> memref<6528xi32, #tpu.memory_space<vmem>>
      %dma_wait3A_126 = tpu.memref_slice %arg5[%mul3A_2] : memref<320000xi32, #tpu.memory_space<hbm>> -> memref<6528xi32, #tpu.memory_space<hbm>>
      %dma_wait3A_127 = arith.constant 0 : i32
      %dma_wait3A_128 = tpu.memref_slice %arg9[%dma_wait3A_127] : memref<10240xi32, #tpu.memory_space<vmem>> -> memref<6528xi32, #tpu.memory_space<vmem>>
      %dma_wait3A_129 = tpu.memref_slice %arg5[%mul3A_2] : memref<320000xi32, #tpu.memory_space<hbm>> -> memref<6528xi32, #tpu.memory_space<hbm>>
      tpu.wait_dma2 semaphore(%arg21 : memref<!tpu.dma_semaphore, #tpu.memory_space<semaphore_mem>>) src(%dma_wait3A_129 : memref<6528xi32, #tpu.memory_space<hbm>>) dst(%dma_wait3A_128 : memref<6528xi32, #tpu.memory_space<vmem>>)
    } else {
    }
    %broadcast_in_dim3A_42 = arith.constant 10000 : i32
    %broadcast_in_dim3A_43 = vector.broadcast %broadcast_in_dim3A_42 : i32 to vector<16xi32>
    %broadcast_in_dim3A_44 = arith.constant 0 : i32
    %broadcast_in_dim3A_45 = vector.broadcast %broadcast_in_dim3A_44 : i32 to vector<16xi32>
    %jit3A = arith.constant 6528 : i32
    %jit3A_46 = arith.constant 10112 : i32
    %select_n3A = arith.select %eq3A_3, %jit3A, %jit3A_46 : i32
    %jit3A_47 = arith.constant 16 : i32
    %div3A = arith.divsi %select_n3A, %jit3A_47 : i32
    %sign3A = arith.constant 0 : i32
    %sign3A_48 = arith.cmpi sgt, %select_n3A, %sign3A : i32
    %sign3A_49 = arith.extui %sign3A_48 : i1 to i32
    %sign3A_50 = arith.constant 0 : i32
    %sign3A_51 = arith.cmpi slt, %select_n3A, %sign3A_50 : i32
    %sign3A_52 = arith.extui %sign3A_51 : i1 to i32
    %sign3A_53 = arith.subi %sign3A_49, %sign3A_52 : i32
    %sign3A_54 = arith.constant 0 : i32
    %sign3A_55 = arith.cmpi sgt, %jit3A_47, %sign3A_54 : i32
    %sign3A_56 = arith.extui %sign3A_55 : i1 to i32
    %sign3A_57 = arith.constant 0 : i32
    %sign3A_58 = arith.cmpi slt, %jit3A_47, %sign3A_57 : i32
    %sign3A_59 = arith.extui %sign3A_58 : i1 to i32
    %sign3A_60 = arith.subi %sign3A_56, %sign3A_59 : i32
    %ne3A = arith.cmpi ne, %sign3A_53, %sign3A_60 : i32
    %rem3A = arith.remsi %select_n3A, %jit3A_47 : i32
    %ne3A_61 = arith.constant 0 : i32
    %ne3A_62 = arith.cmpi ne, %rem3A, %ne3A_61 : i32
    %and3A = arith.andi %ne3A, %ne3A_62 : i1
    %sub3A = arith.constant 1 : i32
    %sub3A_63 = arith.subi %div3A, %sub3A : i32
    %select_n3A_64 = arith.select %and3A, %sub3A_63, %div3A : i32
    %while3A = arith.constant 640 : i32
    %while3A_65 = arith.constant 0 : i32
    %while3A_66 = arith.subi %while3A, %select_n3A_64 : i32
    %while3A_67 = arith.addi %select_n3A_64, %while3A_66 : i32
    %while3A_68 = arith.constant 1 : i32
    %while3A_69 = arith.divsi %while3A_66, %while3A_68 : i32
    %while3A_70 = arith.muli %while3A_69, %while3A_68 : i32
    %while3A_71 = arith.addi %select_n3A_64, %while3A_70 : i32
    %while3A_72 = arith.constant 1 : i32
    %while3A_73 = scf.for %while3A_114 = %select_n3A_64 to %while3A_71 step %while3A_72 iter_args(%while3A_115 = %while3A_65) -> (i32)  : i32 {
      %mul3A_116 = arith.constant 16 : i32
      %mul3A_117 = arith.muli %while3A_114, %mul3A_116 : i32
      %swap3A = arith.constant 0 : i32
      %swap3A_118 = arith.index_cast %swap3A : i32 to index
      %swap3A_119 = arith.index_cast %mul3A_117 : i32 to index
      %swap3A_120 = tpu.vector_load %arg8[%swap3A_118, %swap3A_119] {strides = array<i32>} : memref<2x10240xi32, #tpu.memory_space<vmem>>, vector<16xi32>,
      tpu.vector_store %arg8[%swap3A_118, %swap3A_119], %broadcast_in_dim3A_43 {strides = array<i32>} : memref<2x10240xi32, #tpu.memory_space<vmem>>, vector<16xi32>,
      %swap3A_121 = arith.constant 1 : i32
      %swap3A_122 = arith.index_cast %swap3A_121 : i32 to index
      %swap3A_123 = arith.index_cast %mul3A_117 : i32 to index
      %swap3A_124 = tpu.vector_load %arg8[%swap3A_122, %swap3A_123] {strides = array<i32>} : memref<2x10240xi32, #tpu.memory_space<vmem>>, vector<16xi32>,
      tpu.vector_store %arg8[%swap3A_122, %swap3A_123], %broadcast_in_dim3A_45 {strides = array<i32>} : memref<2x10240xi32, #tpu.memory_space<vmem>>, vector<16xi32>,
      %swap3A_125 = arith.index_cast %mul3A_117 : i32 to index
      %swap3A_126 = tpu.vector_load %arg9[%swap3A_125] {strides = array<i32>} : memref<10240xi32, #tpu.memory_space<vmem>>, vector<16xi32>,
      tpu.vector_store %arg9[%swap3A_125], %broadcast_in_dim3A_45 {strides = array<i32>} : memref<10240xi32, #tpu.memory_space<vmem>>, vector<16xi32>,
      %while3A_127 = arith.constant 0 : i32
      scf.yield %while3A_127 : i32
    }
    %while3A_74 = arith.constant 1 : i32
    %while3A_75 = scf.for %while3A_114 = %while3A_71 to %while3A_67 step %while3A_74 iter_args(%while3A_115 = %while3A_73) -> (i32)  : i32 {
      %mul3A_116 = arith.constant 16 : i32
      %mul3A_117 = arith.muli %while3A_114, %mul3A_116 : i32
      %swap3A = arith.constant 0 : i32
      %swap3A_118 = arith.index_cast %swap3A : i32 to index
      %swap3A_119 = arith.index_cast %mul3A_117 : i32 to index
      %swap3A_120 = tpu.vector_load %arg8[%swap3A_118, %swap3A_119] {strides = array<i32>} : memref<2x10240xi32, #tpu.memory_space<vmem>>, vector<16xi32>,
      tpu.vector_store %arg8[%swap3A_118, %swap3A_119], %broadcast_in_dim3A_43 {strides = array<i32>} : memref<2x10240xi32, #tpu.memory_space<vmem>>, vector<16xi32>,
      %swap3A_121 = arith.constant 1 : i32
      %swap3A_122 = arith.index_cast %swap3A_121 : i32 to index
      %swap3A_123 = arith.index_cast %mul3A_117 : i32 to index
      %swap3A_124 = tpu.vector_load %arg8[%swap3A_122, %swap3A_123] {strides = array<i32>} : memref<2x10240xi32, #tpu.memory_space<vmem>>, vector<16xi32>,
      tpu.vector_store %arg8[%swap3A_122, %swap3A_123], %broadcast_in_dim3A_45 {strides = array<i32>} : memref<2x10240xi32, #tpu.memory_space<vmem>>, vector<16xi32>,
      %swap3A_125 = arith.index_cast %mul3A_117 : i32 to index
      %swap3A_126 = tpu.vector_load %arg9[%swap3A_125] {strides = array<i32>} : memref<10240xi32, #tpu.memory_space<vmem>>, vector<16xi32>,
      tpu.vector_store %arg9[%swap3A_125], %broadcast_in_dim3A_45 {strides = array<i32>} : memref<10240xi32, #tpu.memory_space<vmem>>, vector<16xi32>,
      %while3A_127 = arith.constant 0 : i32
      scf.yield %while3A_127 : i32
    }
    %scan3A_76 = arith.constant 0 : i32
    %scan3A_77 = arith.constant 0 : i32
    %scan3A_78 = arith.constant 640 : i32
    %scan3A_79 = arith.addi %scan3A_77, %scan3A_78 : i32
    %scan3A_80 = arith.constant 1 : i32
    %scan3A_81 = scf.for %scan3A_114 = %scan3A_77 to %scan3A_79 step %scan3A_80 iter_args(%scan3A_115 = %scan3A_76) -> (i32)  : i32 {
      %mul3A_116 = arith.constant 16 : i32
      %mul3A_117 = arith.muli %scan3A_114, %mul3A_116 : i32
      %get3A_118 = arith.index_cast %mul3A_117 : i32 to index
      %get3A_119 = tpu.vector_load %arg9[%get3A_118] {strides = array<i32>} : memref<10240xi32, #tpu.memory_space<vmem>>, vector<16xi32>,
      %get3A_120 = arith.constant 0 : i32
      %get3A_121 = arith.index_cast %get3A_120 : i32 to index
      %get3A_122 = arith.index_cast %mul3A_117 : i32 to index
      %get3A_123 = tpu.vector_load %arg8[%get3A_121, %get3A_122] {strides = array<i32>} : memref<2x10240xi32, #tpu.memory_space<vmem>>, vector<16xi32>,
      %get3A_124 = arith.constant 1 : i32
      %get3A_125 = arith.index_cast %get3A_124 : i32 to index
      %get3A_126 = arith.index_cast %mul3A_117 : i32 to index
      %get3A_127 = tpu.vector_load %arg8[%get3A_125, %get3A_126] {strides = array<i32>} : memref<2x10240xi32, #tpu.memory_space<vmem>>, vector<16xi32>,
      %broadcast_in_dim3A_128 = arith.constant 1 : i32
      %broadcast_in_dim3A_129 = vector.broadcast %broadcast_in_dim3A_128 : i32 to vector<16xi32>
      %broadcast_in_dim3A_130 = arith.constant 0 : i32
      %broadcast_in_dim3A_131 = vector.broadcast %broadcast_in_dim3A_130 : i32 to vector<16xi32>
      %ge3A = arith.constant 2560 : i32
      %ge3A_132 = vector.broadcast %ge3A : i32 to vector<16xi32>
      %ge3A_133 = arith.cmpi sge, %get3A_123, %ge3A_132 : vector<16xi32>
      %select_n3A_134 = arith.select %ge3A_133, %broadcast_in_dim3A_129, %broadcast_in_dim3A_131 : vector<16xi1>, vector<16xi32>
      %ge3A_135 = arith.constant 5120 : i32
      %ge3A_136 = vector.broadcast %ge3A_135 : i32 to vector<16xi32>
      %ge3A_137 = arith.cmpi sge, %get3A_123, %ge3A_136 : vector<16xi32>
      %select_n3A_138 = arith.select %ge3A_137, %broadcast_in_dim3A_129, %broadcast_in_dim3A_131 : vector<16xi1>, vector<16xi32>
      %add3A_139 = arith.addi %select_n3A_134, %select_n3A_138 : vector<16xi32>
      %ge3A_140 = arith.constant 7680 : i32
      %ge3A_141 = vector.broadcast %ge3A_140 : i32 to vector<16xi32>
      %ge3A_142 = arith.cmpi sge, %get3A_123, %ge3A_141 : vector<16xi32>
      %select_n3A_143 = arith.select %ge3A_142, %broadcast_in_dim3A_129, %broadcast_in_dim3A_131 : vector<16xi1>, vector<16xi32>
      %add3A_144 = arith.addi %add3A_139, %select_n3A_143 : vector<16xi32>
      %ge3A_145 = arith.constant 2560 : i32
      %ge3A_146 = vector.broadcast %ge3A_145 : i32 to vector<16xi32>
      %ge3A_147 = arith.cmpi sge, %get3A_127, %ge3A_146 : vector<16xi32>
      %select_n3A_148 = arith.select %ge3A_147, %broadcast_in_dim3A_129, %broadcast_in_dim3A_131 : vector<16xi1>, vector<16xi32>
      %ge3A_149 = arith.constant 5120 : i32
      %ge3A_150 = vector.broadcast %ge3A_149 : i32 to vector<16xi32>
      %ge3A_151 = arith.cmpi sge, %get3A_127, %ge3A_150 : vector<16xi32>
      %select_n3A_152 = arith.select %ge3A_151, %broadcast_in_dim3A_129, %broadcast_in_dim3A_131 : vector<16xi1>, vector<16xi32>
      %add3A_153 = arith.addi %select_n3A_148, %select_n3A_152 : vector<16xi32>
      %ge3A_154 = arith.constant 7680 : i32
      %ge3A_155 = vector.broadcast %ge3A_154 : i32 to vector<16xi32>
      %ge3A_156 = arith.cmpi sge, %get3A_127, %ge3A_155 : vector<16xi32>
      %select_n3A_157 = arith.select %ge3A_156, %broadcast_in_dim3A_129, %broadcast_in_dim3A_131 : vector<16xi1>, vector<16xi32>
      %add3A_158 = arith.addi %add3A_153, %select_n3A_157 : vector<16xi32>
      %mul3A_159 = arith.constant 2560 : i32
      %mul3A_160 = vector.broadcast %mul3A_159 : i32 to vector<16xi32>
      %mul3A_161 = arith.muli %add3A_144, %mul3A_160 : vector<16xi32>
      %sub3A_162 = arith.subi %get3A_123, %mul3A_161 : vector<16xi32>
      %mul3A_163 = arith.constant 128 : i32
      %mul3A_164 = vector.broadcast %mul3A_163 : i32 to vector<16xi32>
      %mul3A_165 = arith.muli %sub3A_162, %mul3A_164 : vector<16xi32>
      %mul3A_166 = arith.constant 32 : i32
      %mul3A_167 = vector.broadcast %mul3A_166 : i32 to vector<16xi32>
      %mul3A_168 = arith.muli %add3A_144, %mul3A_167 : vector<16xi32>
      %add3A_169 = arith.addi %mul3A_165, %mul3A_168 : vector<16xi32>
      %add3A_170 = arith.addi %add3A_169, %get3A_119 : vector<16xi32>
      %swap3A = arith.index_cast %mul3A_117 : i32 to index
      %swap3A_171 = tpu.vector_load %arg10[%swap3A] {strides = array<i32>} : memref<10240xi32, #tpu.memory_space<vmem>>, vector<16xi32>,
      tpu.vector_store %arg10[%swap3A], %add3A_170 {strides = array<i32>} : memref<10240xi32, #tpu.memory_space<vmem>>, vector<16xi32>,
      %mul3A_172 = arith.constant 2560 : i32
      %mul3A_173 = vector.broadcast %mul3A_172 : i32 to vector<16xi32>
      %mul3A_174 = arith.muli %add3A_158, %mul3A_173 : vector<16xi32>
      %sub3A_175 = arith.subi %get3A_127, %mul3A_174 : vector<16xi32>
      %mul3A_176 = arith.constant 128 : i32
      %mul3A_177 = vector.broadcast %mul3A_176 : i32 to vector<16xi32>
      %mul3A_178 = arith.muli %sub3A_175, %mul3A_177 : vector<16xi32>
      %mul3A_179 = arith.constant 32 : i32
      %mul3A_180 = vector.broadcast %mul3A_179 : i32 to vector<16xi32>
      %mul3A_181 = arith.muli %add3A_158, %mul3A_180 : vector<16xi32>
      %add3A_182 = arith.addi %mul3A_178, %mul3A_181 : vector<16xi32>
      %add3A_183 = arith.constant 16 : i32
      %add3A_184 = vector.broadcast %add3A_183 : i32 to vector<16xi32>
      %add3A_185 = arith.addi %get3A_119, %add3A_184 : vector<16xi32>
      %add3A_186 = arith.addi %add3A_182, %add3A_185 : vector<16xi32>
      %swap3A_187 = arith.index_cast %mul3A_117 : i32 to index
      %swap3A_188 = tpu.vector_load %arg11[%swap3A_187] {strides = array<i32>} : memref<10240xi32, #tpu.memory_space<vmem>>, vector<16xi32>,
      tpu.vector_store %arg11[%swap3A_187], %add3A_186 {strides = array<i32>} : memref<10240xi32, #tpu.memory_space<vmem>>, vector<16xi32>,
      %scan3A_189 = arith.constant 0 : i32
      scf.yield %scan3A_189 : i32
    }
    %scan3A_82 = arith.constant 640 : i32
    %dma_wait3A_83 = tpu.memref_slice %arg18[%mul3A_5] : memref<327680xf32, #tpu.memory_space<vmem_shared>> -> memref<10240xf32, #tpu.memory_space<vmem_shared>>
    %dma_wait3A_84 = tpu.memref_slice %arg18[%mul3A_5] : memref<327680xf32, #tpu.memory_space<vmem_shared>> -> memref<10240xf32, #tpu.memory_space<vmem_shared>>
    tpu.wait_dma2 semaphore(%arg19 : memref<!tpu.dma_semaphore, #tpu.memory_space<semaphore_mem>>) src(%arg12 : memref<10240xf32, #tpu.memory_space<vmem>>) dst(%dma_wait3A_84 : memref<10240xf32, #tpu.memory_space<vmem_shared>>)
    %add3A_85 = arith.constant 10240 : i32
    %add3A_86 = arith.addi %mul3A_5, %add3A_85 : i32
    %dma_wait3A_87 = tpu.memref_slice %arg18[%add3A_86] : memref<327680xf32, #tpu.memory_space<vmem_shared>> -> memref<10240xf32, #tpu.memory_space<vmem_shared>>
    %dma_wait3A_88 = tpu.memref_slice %arg18[%add3A_86] : memref<327680xf32, #tpu.memory_space<vmem_shared>> -> memref<10240xf32, #tpu.memory_space<vmem_shared>>
    tpu.wait_dma2 semaphore(%arg19 : memref<!tpu.dma_semaphore, #tpu.memory_space<semaphore_mem>>) src(%arg13 : memref<10240xf32, #tpu.memory_space<vmem>>) dst(%dma_wait3A_88 : memref<10240xf32, #tpu.memory_space<vmem_shared>>)
    tpu.wait_dma2 semaphore(%arg20 : memref<!tpu.dma_semaphore, #tpu.memory_space<semaphore_mem>>) src(%arg3 : memref<10000xf32, #tpu.memory_space<hbm>>) dst(%arg14 : memref<10000xf32, #tpu.memory_space<vmem>>)
    tpu.wait_dma2 semaphore(%arg20 : memref<!tpu.dma_semaphore, #tpu.memory_space<semaphore_mem>>) src(%arg6 : memref<16xf32, #tpu.memory_space<hbm>>) dst(%arg17 : memref<16xf32, #tpu.memory_space<vmem>>)
    %get3A = arith.constant 0 : index
    %get3A_89 = tpu.vector_load %arg17[%get3A] {strides = array<i32>} : memref<16xf32, #tpu.memory_space<vmem>>, vector<16xf32>,
    %barrier3A = arith.constant 0 : index
    tpu.barrier barrier_id(%barrier3A)
    %scan3A_90 = arith.constant 0 : i32
    %scan3A_91 = arith.constant 0 : i32
    %scan3A_92 = arith.constant 8 : i32
    %scan3A_93 = arith.addi %scan3A_91, %scan3A_92 : i32
    %scan3A_94 = arith.constant 1 : i32
    %scan3A_95 = scf.for %scan3A_114 = %scan3A_91 to %scan3A_93 step %scan3A_94 iter_args(%scan3A_115 = %scan3A_90) -> (i32)  : i32 {
      %add3A_116 = arith.constant 0 : i32
      %add3A_117 = arith.addi %add3A_116, %scan3A_114 : i32
      %mul3A_118 = arith.constant 128 : i32
      %mul3A_119 = arith.muli %add3A_117, %mul3A_118 : i32
      %dma_start3A_120 = tpu.memref_slice %arg12[%mul3A_119] : memref<10240xf32, #tpu.memory_space<vmem>> -> memref<128xf32, #tpu.memory_space<vmem>>
      %dma_start3A_121 = tpu.memref_slice %arg10[%mul3A_119] : memref<10240xi32, #tpu.memory_space<vmem>> -> memref<128xi32, #tpu.memory_space<vmem>>
      %dma_start3A_122 = arith.constant 0 : i32
      %dma_start3A_123 = tpu.memref_slice %arg18[%dma_start3A_122] : memref<327680xf32, #tpu.memory_space<vmem_shared>> -> memref<327680xf32, #tpu.memory_space<vmem_shared>>
      tpu.enqueue_indirect_dma source(%dma_start3A_123 : memref<327680xf32, #tpu.memory_space<vmem_shared>>) target(%dma_start3A_120 : memref<128xf32, #tpu.memory_space<vmem>>) offsets(%dma_start3A_121 : memref<128xi32, #tpu.memory_space<vmem>>) semaphore(%arg22 : memref<!tpu.dma_semaphore, #tpu.memory_space<semaphore_mem>>)
      %dma_start3A_124 = tpu.memref_slice %arg13[%mul3A_119] : memref<10240xf32, #tpu.memory_space<vmem>> -> memref<128xf32, #tpu.memory_space<vmem>>
      %dma_start3A_125 = tpu.memref_slice %arg11[%mul3A_119] : memref<10240xi32, #tpu.memory_space<vmem>> -> memref<128xi32, #tpu.memory_space<vmem>>
      %dma_start3A_126 = arith.constant 0 : i32
      %dma_start3A_127 = tpu.memref_slice %arg18[%dma_start3A_126] : memref<327680xf32, #tpu.memory_space<vmem_shared>> -> memref<327680xf32, #tpu.memory_space<vmem_shared>>
      tpu.enqueue_indirect_dma source(%dma_start3A_127 : memref<327680xf32, #tpu.memory_space<vmem_shared>>) target(%dma_start3A_124 : memref<128xf32, #tpu.memory_space<vmem>>) offsets(%dma_start3A_125 : memref<128xi32, #tpu.memory_space<vmem>>) semaphore(%arg22 : memref<!tpu.dma_semaphore, #tpu.memory_space<semaphore_mem>>)
      %scan3A_128 = arith.constant 0 : i32
      scf.yield %scan3A_128 : i32
    }
    %scan3A_96 = arith.constant 8 : i32
    %scan3A_97 = arith.constant 0 : i32
    %scan3A_98 = arith.constant 0 : i32
    %scan3A_99 = arith.constant 5 : i32
    %scan3A_100 = arith.addi %scan3A_98, %scan3A_99 : i32
    %scan3A_101 = arith.constant 1 : i32
    %scan3A_102 = scf.for %scan3A_114 = %scan3A_98 to %scan3A_100 step %scan3A_101 iter_args(%scan3A_115 = %scan3A_97) -> (i32)  : i32 {
      %mul3A_116 = arith.constant 2 : i32
      %mul3A_117 = arith.muli %scan3A_114, %mul3A_116 : i32
      %add3A_118 = arith.constant 1 : i32
      %add3A_119 = arith.addi %mul3A_117, %add3A_118 : i32
      %lt3A = arith.constant 10 : i32
      %lt3A_120 = arith.cmpi slt, %add3A_119, %lt3A : i32
      %convert_element_type3A_121 = arith.extui %lt3A_120 : i1 to i32
      %cond3A_122 = arith.constant 0 : i32
      %cond3A_123 = arith.cmpi ne, %convert_element_type3A_121, %cond3A_122 : i32
      scf.if %cond3A_123 {
        %add3A_153 = arith.constant 1 : i32
        %add3A_154 = arith.addi %mul3A_117, %add3A_153 : i32
        %scan3A_155 = arith.constant 0 : i32
        %scan3A_156 = arith.constant 0 : i32
        %scan3A_157 = arith.constant 8 : i32
        %scan3A_158 = arith.addi %scan3A_156, %scan3A_157 : i32
        %scan3A_159 = arith.constant 1 : i32
        %scan3A_160 = scf.for %scan3A_162 = %scan3A_156 to %scan3A_158 step %scan3A_159 iter_args(%scan3A_163 = %scan3A_155) -> (i32)  : i32 {
          %mul3A_164 = arith.constant 8 : i32
          %mul3A_165 = arith.muli %add3A_154, %mul3A_164 : i32
          %add3A_166 = arith.addi %mul3A_165, %scan3A_162 : i32
          %mul3A_167 = arith.constant 128 : i32
          %mul3A_168 = arith.muli %add3A_166, %mul3A_167 : i32
          %dma_start3A_169 = tpu.memref_slice %arg12[%mul3A_168] : memref<10240xf32, #tpu.memory_space<vmem>> -> memref<128xf32, #tpu.memory_space<vmem>>
          %dma_start3A_170 = tpu.memref_slice %arg10[%mul3A_168] : memref<10240xi32, #tpu.memory_space<vmem>> -> memref<128xi32, #tpu.memory_space<vmem>>
          %dma_start3A_171 = arith.constant 0 : i32
          %dma_start3A_172 = tpu.memref_slice %arg18[%dma_start3A_171] : memref<327680xf32, #tpu.memory_space<vmem_shared>> -> memref<327680xf32, #tpu.memory_space<vmem_shared>>
          tpu.enqueue_indirect_dma source(%dma_start3A_172 : memref<327680xf32, #tpu.memory_space<vmem_shared>>) target(%dma_start3A_169 : memref<128xf32, #tpu.memory_space<vmem>>) offsets(%dma_start3A_170 : memref<128xi32, #tpu.memory_space<vmem>>) semaphore(%arg23 : memref<!tpu.dma_semaphore, #tpu.memory_space<semaphore_mem>>)
          %dma_start3A_173 = tpu.memref_slice %arg13[%mul3A_168] : memref<10240xf32, #tpu.memory_space<vmem>> -> memref<128xf32, #tpu.memory_space<vmem>>
          %dma_start3A_174 = tpu.memref_slice %arg11[%mul3A_168] : memref<10240xi32, #tpu.memory_space<vmem>> -> memref<128xi32, #tpu.memory_space<vmem>>
          %dma_start3A_175 = arith.constant 0 : i32
          %dma_start3A_176 = tpu.memref_slice %arg18[%dma_start3A_175] : memref<327680xf32, #tpu.memory_space<vmem_shared>> -> memref<327680xf32, #tpu.memory_space<vmem_shared>>
          tpu.enqueue_indirect_dma source(%dma_start3A_176 : memref<327680xf32, #tpu.memory_space<vmem_shared>>) target(%dma_start3A_173 : memref<128xf32, #tpu.memory_space<vmem>>) offsets(%dma_start3A_174 : memref<128xi32, #tpu.memory_space<vmem>>) semaphore(%arg23 : memref<!tpu.dma_semaphore, #tpu.memory_space<semaphore_mem>>)
          %scan3A_177 = arith.constant 0 : i32
          scf.yield %scan3A_177 : i32
        }
        %scan3A_161 = arith.constant 8 : i32
      } else {
      }
      %scan3A_124 = arith.constant 0 : i32
      %scan3A_125 = arith.constant 0 : i32
      %scan3A_126 = arith.constant 8 : i32
      %scan3A_127 = arith.addi %scan3A_125, %scan3A_126 : i32
      %scan3A_128 = arith.constant 1 : i32
      %scan3A_129 = scf.for %scan3A_153 = %scan3A_125 to %scan3A_127 step %scan3A_128 iter_args(%scan3A_154 = %scan3A_124) -> (i32)  : i32 {
        %mul3A_155 = arith.constant 8 : i32
        %mul3A_156 = arith.muli %mul3A_117, %mul3A_155 : i32
        %add3A_157 = arith.addi %mul3A_156, %scan3A_153 : i32
        %mul3A_158 = arith.constant 128 : i32
        %mul3A_159 = arith.muli %add3A_157, %mul3A_158 : i32
        %dma_wait3A_160 = tpu.memref_slice %arg12[%mul3A_159] : memref<10240xf32, #tpu.memory_space<vmem>> -> memref<128xf32, #tpu.memory_space<vmem>>
        %dma_wait3A_161 = tpu.memref_slice %arg10[%mul3A_159] : memref<10240xi32, #tpu.memory_space<vmem>> -> memref<128xi32, #tpu.memory_space<vmem>>
        %dma_wait3A_162 = arith.constant 0 : i32
        %dma_wait3A_163 = tpu.memref_slice %arg18[%dma_wait3A_162] : memref<327680xf32, #tpu.memory_space<vmem_shared>> -> memref<327680xf32, #tpu.memory_space<vmem_shared>>
        tpu.wait_indirect_dma semaphore(%arg22 : memref<!tpu.dma_semaphore, #tpu.memory_space<semaphore_mem>>) src(%dma_wait3A_163 : memref<327680xf32, #tpu.memory_space<vmem_shared>>) dst(%dma_wait3A_160 : memref<128xf32, #tpu.memory_space<vmem>>)
        %dma_wait3A_164 = tpu.memref_slice %arg13[%mul3A_159] : memref<10240xf32, #tpu.memory_space<vmem>> -> memref<128xf32, #tpu.memory_space<vmem>>
        %dma_wait3A_165 = tpu.memref_slice %arg11[%mul3A_159] : memref<10240xi32, #tpu.memory_space<vmem>> -> memref<128xi32, #tpu.memory_space<vmem>>
        %dma_wait3A_166 = arith.constant 0 : i32
        %dma_wait3A_167 = tpu.memref_slice %arg18[%dma_wait3A_166] : memref<327680xf32, #tpu.memory_space<vmem_shared>> -> memref<327680xf32, #tpu.memory_space<vmem_shared>>
        tpu.wait_indirect_dma semaphore(%arg22 : memref<!tpu.dma_semaphore, #tpu.memory_space<semaphore_mem>>) src(%dma_wait3A_167 : memref<327680xf32, #tpu.memory_space<vmem_shared>>) dst(%dma_wait3A_164 : memref<128xf32, #tpu.memory_space<vmem>>)
        %scan3A_168 = arith.constant 0 : i32
        scf.yield %scan3A_168 : i32
      }
      %scan3A_130 = arith.constant 8 : i32
      %scan3A_131 = arith.constant 0 : i32
      %scan3A_132 = arith.constant 0 : i32
      %scan3A_133 = arith.constant 64 : i32
      %scan3A_134 = arith.addi %scan3A_132, %scan3A_133 : i32
      %scan3A_135 = arith.constant 1 : i32
      %scan3A_136 = scf.for %scan3A_153 = %scan3A_132 to %scan3A_134 step %scan3A_135 iter_args(%scan3A_154 = %scan3A_131) -> (i32)  : i32 {
        %mul3A_155 = arith.constant 8 : i32
        %mul3A_156 = arith.muli %mul3A_117, %mul3A_155 : i32
        %mul3A_157 = arith.constant 128 : i32
        %mul3A_158 = arith.muli %mul3A_156, %mul3A_157 : i32
        %mul3A_159 = arith.constant 16 : i32
        %mul3A_160 = arith.muli %scan3A_153, %mul3A_159 : i32
        %add3A_161 = arith.addi %mul3A_158, %mul3A_160 : i32
        %get3A_162 = arith.index_cast %add3A_161 : i32 to index
        %get3A_163 = tpu.vector_load %arg12[%get3A_162] {strides = array<i32>} : memref<10240xf32, #tpu.memory_space<vmem>>, vector<16xf32>,
        %get3A_164 = arith.index_cast %add3A_161 : i32 to index
        %get3A_165 = tpu.vector_load %arg13[%get3A_164] {strides = array<i32>} : memref<10240xf32, #tpu.memory_space<vmem>>, vector<16xf32>,
        %add3A_166 = arith.addf %get3A_163, %get3A_165 : vector<16xf32>
        %mul3A_167 = arith.constant 2.000000e-01 : f32
        %mul3A_168 = vector.broadcast %mul3A_167 : f32 to vector<16xf32>
        %mul3A_169 = arith.mulf %mul3A_168, %add3A_166 : vector<16xf32>
        %max3A = arith.maximumf %add3A_166, %mul3A_169 : vector<16xf32>
        %sub3A_170 = arith.subf %max3A, %get3A_89 : vector<16xf32>
        %exp3A = math.exp %sub3A_170 : vector<16xf32>
        %get3A_171 = arith.constant 1 : i32
        %get3A_172 = arith.index_cast %get3A_171 : i32 to index
        %get3A_173 = arith.index_cast %add3A_161 : i32 to index
        %get3A_174 = tpu.vector_load %arg8[%get3A_172, %get3A_173] {strides = array<i32>} : memref<2x10240xi32, #tpu.memory_space<vmem>>, vector<16xi32>,
        %gather3A = tpu.vector_load_idx %arg14[%get3A_174] : memref<10000xf32, #tpu.memory_space<vmem>>[vector<16xi32>], vector<16xf32>,
        %get3A_175 = arith.constant 0 : i32
        %get3A_176 = arith.index_cast %get3A_175 : i32 to index
        %get3A_177 = arith.index_cast %add3A_161 : i32 to index
        %get3A_178 = tpu.vector_load %arg8[%get3A_176, %get3A_177] {strides = array<i32>} : memref<2x10240xi32, #tpu.memory_space<vmem>>, vector<16xi32>,
        tpu.vector_store_idx %arg15[%get3A_178], %exp3A {add = true} : memref<10240xf32, #tpu.memory_space<vmem>>[vector<16xi32>], vector<16xf32>,
        %mul3A_179 = arith.mulf %exp3A, %gather3A : vector<16xf32>
        tpu.vector_store_idx %arg16[%get3A_178], %mul3A_179 {add = true} : memref<10240xf32, #tpu.memory_space<vmem>>[vector<16xi32>], vector<16xf32>,
        %scan3A_180 = arith.constant 0 : i32
        scf.yield %scan3A_180 : i32
      }
      %scan3A_137 = arith.constant 64 : i32
      %add3A_138 = arith.constant 2 : i32
      %add3A_139 = arith.addi %mul3A_117, %add3A_138 : i32
      %lt3A_140 = arith.constant 10 : i32
      %lt3A_141 = arith.cmpi slt, %add3A_139, %lt3A_140 : i32
      %convert_element_type3A_142 = arith.extui %lt3A_141 : i1 to i32
      %cond3A_143 = arith.constant 0 : i32
      %cond3A_144 = arith.cmpi ne, %convert_element_type3A_142, %cond3A_143 : i32
      scf.if %cond3A_144 {
        %add3A_153 = arith.constant 2 : i32
        %add3A_154 = arith.addi %mul3A_117, %add3A_153 : i32
        %scan3A_155 = arith.constant 0 : i32
        %scan3A_156 = arith.constant 0 : i32
        %scan3A_157 = arith.constant 8 : i32
        %scan3A_158 = arith.addi %scan3A_156, %scan3A_157 : i32
        %scan3A_159 = arith.constant 1 : i32
        %scan3A_160 = scf.for %scan3A_162 = %scan3A_156 to %scan3A_158 step %scan3A_159 iter_args(%scan3A_163 = %scan3A_155) -> (i32)  : i32 {
          %mul3A_164 = arith.constant 8 : i32
          %mul3A_165 = arith.muli %add3A_154, %mul3A_164 : i32
          %add3A_166 = arith.addi %mul3A_165, %scan3A_162 : i32
          %mul3A_167 = arith.constant 128 : i32
          %mul3A_168 = arith.muli %add3A_166, %mul3A_167 : i32
          %dma_start3A_169 = tpu.memref_slice %arg12[%mul3A_168] : memref<10240xf32, #tpu.memory_space<vmem>> -> memref<128xf32, #tpu.memory_space<vmem>>
          %dma_start3A_170 = tpu.memref_slice %arg10[%mul3A_168] : memref<10240xi32, #tpu.memory_space<vmem>> -> memref<128xi32, #tpu.memory_space<vmem>>
          %dma_start3A_171 = arith.constant 0 : i32
          %dma_start3A_172 = tpu.memref_slice %arg18[%dma_start3A_171] : memref<327680xf32, #tpu.memory_space<vmem_shared>> -> memref<327680xf32, #tpu.memory_space<vmem_shared>>
          tpu.enqueue_indirect_dma source(%dma_start3A_172 : memref<327680xf32, #tpu.memory_space<vmem_shared>>) target(%dma_start3A_169 : memref<128xf32, #tpu.memory_space<vmem>>) offsets(%dma_start3A_170 : memref<128xi32, #tpu.memory_space<vmem>>) semaphore(%arg22 : memref<!tpu.dma_semaphore, #tpu.memory_space<semaphore_mem>>)
          %dma_start3A_173 = tpu.memref_slice %arg13[%mul3A_168] : memref<10240xf32, #tpu.memory_space<vmem>> -> memref<128xf32, #tpu.memory_space<vmem>>
          %dma_start3A_174 = tpu.memref_slice %arg11[%mul3A_168] : memref<10240xi32, #tpu.memory_space<vmem>> -> memref<128xi32, #tpu.memory_space<vmem>>
          %dma_start3A_175 = arith.constant 0 : i32
          %dma_start3A_176 = tpu.memref_slice %arg18[%dma_start3A_175] : memref<327680xf32, #tpu.memory_space<vmem_shared>> -> memref<327680xf32, #tpu.memory_space<vmem_shared>>
          tpu.enqueue_indirect_dma source(%dma_start3A_176 : memref<327680xf32, #tpu.memory_space<vmem_shared>>) target(%dma_start3A_173 : memref<128xf32, #tpu.memory_space<vmem>>) offsets(%dma_start3A_174 : memref<128xi32, #tpu.memory_space<vmem>>) semaphore(%arg22 : memref<!tpu.dma_semaphore, #tpu.memory_space<semaphore_mem>>)
          %scan3A_177 = arith.constant 0 : i32
          scf.yield %scan3A_177 : i32
        }
        %scan3A_161 = arith.constant 8 : i32
      } else {
      }
      %add3A_145 = arith.constant 1 : i32
      %add3A_146 = arith.addi %mul3A_117, %add3A_145 : i32
      %lt3A_147 = arith.constant 10 : i32
      %lt3A_148 = arith.cmpi slt, %add3A_146, %lt3A_147 : i32
      %convert_element_type3A_149 = arith.extui %lt3A_148 : i1 to i32
      %cond3A_150 = arith.constant 0 : i32
      %cond3A_151 = arith.cmpi ne, %convert_element_type3A_149, %cond3A_150 : i32
      scf.if %cond3A_151 {
        %add3A_153 = arith.constant 1 : i32
        %add3A_154 = arith.addi %mul3A_117, %add3A_153 : i32
        %scan3A_155 = arith.constant 0 : i32
        %scan3A_156 = arith.constant 0 : i32
        %scan3A_157 = arith.constant 8 : i32
        %scan3A_158 = arith.addi %scan3A_156, %scan3A_157 : i32
        %scan3A_159 = arith.constant 1 : i32
        %scan3A_160 = scf.for %scan3A_171 = %scan3A_156 to %scan3A_158 step %scan3A_159 iter_args(%scan3A_172 = %scan3A_155) -> (i32)  : i32 {
          %mul3A_173 = arith.constant 8 : i32
          %mul3A_174 = arith.muli %add3A_154, %mul3A_173 : i32
          %add3A_175 = arith.addi %mul3A_174, %scan3A_171 : i32
          %mul3A_176 = arith.constant 128 : i32
          %mul3A_177 = arith.muli %add3A_175, %mul3A_176 : i32
          %dma_wait3A_178 = tpu.memref_slice %arg12[%mul3A_177] : memref<10240xf32, #tpu.memory_space<vmem>> -> memref<128xf32, #tpu.memory_space<vmem>>
          %dma_wait3A_179 = tpu.memref_slice %arg10[%mul3A_177] : memref<10240xi32, #tpu.memory_space<vmem>> -> memref<128xi32, #tpu.memory_space<vmem>>
          %dma_wait3A_180 = arith.constant 0 : i32
          %dma_wait3A_181 = tpu.memref_slice %arg18[%dma_wait3A_180] : memref<327680xf32, #tpu.memory_space<vmem_shared>> -> memref<327680xf32, #tpu.memory_space<vmem_shared>>
          tpu.wait_indirect_dma semaphore(%arg23 : memref<!tpu.dma_semaphore, #tpu.memory_space<semaphore_mem>>) src(%dma_wait3A_181 : memref<327680xf32, #tpu.memory_space<vmem_shared>>) dst(%dma_wait3A_178 : memref<128xf32, #tpu.memory_space<vmem>>)
          %dma_wait3A_182 = tpu.memref_slice %arg13[%mul3A_177] : memref<10240xf32, #tpu.memory_space<vmem>> -> memref<128xf32, #tpu.memory_space<vmem>>
          %dma_wait3A_183 = tpu.memref_slice %arg11[%mul3A_177] : memref<10240xi32, #tpu.memory_space<vmem>> -> memref<128xi32, #tpu.memory_space<vmem>>
          %dma_wait3A_184 = arith.constant 0 : i32
          %dma_wait3A_185 = tpu.memref_slice %arg18[%dma_wait3A_184] : memref<327680xf32, #tpu.memory_space<vmem_shared>> -> memref<327680xf32, #tpu.memory_space<vmem_shared>>
          tpu.wait_indirect_dma semaphore(%arg23 : memref<!tpu.dma_semaphore, #tpu.memory_space<semaphore_mem>>) src(%dma_wait3A_185 : memref<327680xf32, #tpu.memory_space<vmem_shared>>) dst(%dma_wait3A_182 : memref<128xf32, #tpu.memory_space<vmem>>)
          %scan3A_186 = arith.constant 0 : i32
          scf.yield %scan3A_186 : i32
        }
        %scan3A_161 = arith.constant 8 : i32
        %add3A_162 = arith.constant 1 : i32
        %add3A_163 = arith.addi %mul3A_117, %add3A_162 : i32
        %scan3A_164 = arith.constant 0 : i32
        %scan3A_165 = arith.constant 0 : i32
        %scan3A_166 = arith.constant 64 : i32
        %scan3A_167 = arith.addi %scan3A_165, %scan3A_166 : i32
        %scan3A_168 = arith.constant 1 : i32
        %scan3A_169 = scf.for %scan3A_171 = %scan3A_165 to %scan3A_167 step %scan3A_168 iter_args(%scan3A_172 = %scan3A_164) -> (i32)  : i32 {
          %mul3A_173 = arith.constant 8 : i32
          %mul3A_174 = arith.muli %add3A_163, %mul3A_173 : i32
          %mul3A_175 = arith.constant 128 : i32
          %mul3A_176 = arith.muli %mul3A_174, %mul3A_175 : i32
          %mul3A_177 = arith.constant 16 : i32
          %mul3A_178 = arith.muli %scan3A_171, %mul3A_177 : i32
          %add3A_179 = arith.addi %mul3A_176, %mul3A_178 : i32
          %get3A_180 = arith.index_cast %add3A_179 : i32 to index
          %get3A_181 = tpu.vector_load %arg12[%get3A_180] {strides = array<i32>} : memref<10240xf32, #tpu.memory_space<vmem>>, vector<16xf32>,
          %get3A_182 = arith.index_cast %add3A_179 : i32 to index
          %get3A_183 = tpu.vector_load %arg13[%get3A_182] {strides = array<i32>} : memref<10240xf32, #tpu.memory_space<vmem>>, vector<16xf32>,
          %add3A_184 = arith.addf %get3A_181, %get3A_183 : vector<16xf32>
          %mul3A_185 = arith.constant 2.000000e-01 : f32
          %mul3A_186 = vector.broadcast %mul3A_185 : f32 to vector<16xf32>
          %mul3A_187 = arith.mulf %mul3A_186, %add3A_184 : vector<16xf32>
          %max3A = arith.maximumf %add3A_184, %mul3A_187 : vector<16xf32>
          %sub3A_188 = arith.subf %max3A, %get3A_89 : vector<16xf32>
          %exp3A = math.exp %sub3A_188 : vector<16xf32>
          %get3A_189 = arith.constant 1 : i32
          %get3A_190 = arith.index_cast %get3A_189 : i32 to index
          %get3A_191 = arith.index_cast %add3A_179 : i32 to index
          %get3A_192 = tpu.vector_load %arg8[%get3A_190, %get3A_191] {strides = array<i32>} : memref<2x10240xi32, #tpu.memory_space<vmem>>, vector<16xi32>,
          %gather3A = tpu.vector_load_idx %arg14[%get3A_192] : memref<10000xf32, #tpu.memory_space<vmem>>[vector<16xi32>], vector<16xf32>,
          %get3A_193 = arith.constant 0 : i32
          %get3A_194 = arith.index_cast %get3A_193 : i32 to index
          %get3A_195 = arith.index_cast %add3A_179 : i32 to index
          %get3A_196 = tpu.vector_load %arg8[%get3A_194, %get3A_195] {strides = array<i32>} : memref<2x10240xi32, #tpu.memory_space<vmem>>, vector<16xi32>,
          tpu.vector_store_idx %arg15[%get3A_196], %exp3A {add = true} : memref<10240xf32, #tpu.memory_space<vmem>>[vector<16xi32>], vector<16xf32>,
          %mul3A_197 = arith.mulf %exp3A, %gather3A : vector<16xf32>
          tpu.vector_store_idx %arg16[%get3A_196], %mul3A_197 {add = true} : memref<10240xf32, #tpu.memory_space<vmem>>[vector<16xi32>], vector<16xf32>,
          %scan3A_198 = arith.constant 0 : i32
          scf.yield %scan3A_198 : i32
        }
        %scan3A_170 = arith.constant 64 : i32
      } else {
      }
      %scan3A_152 = arith.constant 0 : i32
      scf.yield %scan3A_152 : i32
    }
    %scan3A_103 = arith.constant 5 : i32
    %mul3A_104 = arith.constant 2 : i32
    %mul3A_105 = arith.muli %add3A, %mul3A_104 : i32
    %mul3A_106 = arith.constant 10240 : i32
    %mul3A_107 = arith.muli %mul3A_105, %mul3A_106 : i32
    "tpu.region"() ({
      %run_scoped3A = tpu.sem_alloc : memref<!tpu.dma_semaphore, #tpu.memory_space<semaphore_mem>>
      %dma_start3A_114 = tpu.memref_slice %arg7[%mul3A_107] : memref<655360xf32, #tpu.memory_space<hbm>> -> memref<10240xf32, #tpu.memory_space<hbm>>
      %dma_start3A_115 = tpu.memref_slice %arg7[%mul3A_107] : memref<655360xf32, #tpu.memory_space<hbm>> -> memref<10240xf32, #tpu.memory_space<hbm>>
      tpu.enqueue_dma source(%arg15 : memref<10240xf32, #tpu.memory_space<vmem>>) target(%dma_start3A_115 : memref<10240xf32, #tpu.memory_space<hbm>>) target_semaphore(%run_scoped3A : memref<!tpu.dma_semaphore, #tpu.memory_space<semaphore_mem>>)
      %dma_wait3A_116 = tpu.memref_slice %arg7[%mul3A_107] : memref<655360xf32, #tpu.memory_space<hbm>> -> memref<10240xf32, #tpu.memory_space<hbm>>
      %dma_wait3A_117 = tpu.memref_slice %arg7[%mul3A_107] : memref<655360xf32, #tpu.memory_space<hbm>> -> memref<10240xf32, #tpu.memory_space<hbm>>
      tpu.wait_dma2 semaphore(%run_scoped3A : memref<!tpu.dma_semaphore, #tpu.memory_space<semaphore_mem>>) src(%arg15 : memref<10240xf32, #tpu.memory_space<vmem>>) dst(%dma_wait3A_117 : memref<10240xf32, #tpu.memory_space<hbm>>)
      tpu.yield
    }) : () -> ()
    %mul3A_108 = arith.constant 2 : i32
    %mul3A_109 = arith.muli %add3A, %mul3A_108 : i32
    %mul3A_110 = arith.constant 10240 : i32
    %mul3A_111 = arith.muli %mul3A_109, %mul3A_110 : i32
    %add3A_112 = arith.constant 10240 : i32
    %add3A_113 = arith.addi %mul3A_111, %add3A_112 : i32
    "tpu.region"() ({
      %run_scoped3A = tpu.sem_alloc : memref<!tpu.dma_semaphore, #tpu.memory_space<semaphore_mem>>
      %dma_start3A_114 = tpu.memref_slice %arg7[%add3A_113] : memref<655360xf32, #tpu.memory_space<hbm>> -> memref<10240xf32, #tpu.memory_space<hbm>>
      %dma_start3A_115 = tpu.memref_slice %arg7[%add3A_113] : memref<655360xf32, #tpu.memory_space<hbm>> -> memref<10240xf32, #tpu.memory_space<hbm>>
      tpu.enqueue_dma source(%arg16 : memref<10240xf32, #tpu.memory_space<vmem>>) target(%dma_start3A_115 : memref<10240xf32, #tpu.memory_space<hbm>>) target_semaphore(%run_scoped3A : memref<!tpu.dma_semaphore, #tpu.memory_space<semaphore_mem>>)
      %dma_wait3A_116 = tpu.memref_slice %arg7[%add3A_113] : memref<655360xf32, #tpu.memory_space<hbm>> -> memref<10240xf32, #tpu.memory_space<hbm>>
      %dma_wait3A_117 = tpu.memref_slice %arg7[%add3A_113] : memref<655360xf32, #tpu.memory_space<hbm>> -> memref<10240xf32, #tpu.memory_space<hbm>>
      tpu.wait_dma2 semaphore(%run_scoped3A : memref<!tpu.dma_semaphore, #tpu.memory_space<semaphore_mem>>) src(%arg16 : memref<10240xf32, #tpu.memory_space<vmem>>) dst(%dma_wait3A_117 : memref<10240xf32, #tpu.memory_space<hbm>>)
      tpu.yield
    }) : () -> ()
    return
  }
}

module attributes {stable_mosaic.version = 14 : i64} {
  func.func @_combine_body(%arg0: memref<5120x128xf32, #tpu.memory_space<vmem>>, %arg1: memref<80x128xf32, #tpu.memory_space<vmem>>) attributes {dimension_semantics = [], scalar_prefetch = 0 : i64, scratch_operands = 0 : i64, tpu.core_type = #tpu.core_type<tc>} {
    %get3A = arith.constant 0 : index
    %get3A_0 = arith.constant 0 : index
    %get3A_1 = vector.load %arg0[%get3A, %get3A_0] : memref<5120x128xf32, #tpu.memory_space<vmem>>, vector<80x128xf32>
    %get3A_2 = arith.constant 80 : index
    %get3A_3 = arith.constant 0 : index
    %get3A_4 = vector.load %arg0[%get3A_2, %get3A_3] : memref<5120x128xf32, #tpu.memory_space<vmem>>, vector<80x128xf32>
    %get3A_5 = arith.constant 160 : index
    %get3A_6 = arith.constant 0 : index
    %get3A_7 = vector.load %arg0[%get3A_5, %get3A_6] : memref<5120x128xf32, #tpu.memory_space<vmem>>, vector<80x128xf32>
    %add3A = arith.addf %get3A_1, %get3A_7 : vector<80x128xf32>
    %get3A_8 = arith.constant 240 : index
    %get3A_9 = arith.constant 0 : index
    %get3A_10 = vector.load %arg0[%get3A_8, %get3A_9] : memref<5120x128xf32, #tpu.memory_space<vmem>>, vector<80x128xf32>
    %add3A_11 = arith.addf %get3A_4, %get3A_10 : vector<80x128xf32>
    %get3A_12 = arith.constant 320 : index
    %get3A_13 = arith.constant 0 : index
    %get3A_14 = vector.load %arg0[%get3A_12, %get3A_13] : memref<5120x128xf32, #tpu.memory_space<vmem>>, vector<80x128xf32>
    %add3A_15 = arith.addf %add3A, %get3A_14 : vector<80x128xf32>
    %get3A_16 = arith.constant 400 : index
    %get3A_17 = arith.constant 0 : index
    %get3A_18 = vector.load %arg0[%get3A_16, %get3A_17] : memref<5120x128xf32, #tpu.memory_space<vmem>>, vector<80x128xf32>
    %add3A_19 = arith.addf %add3A_11, %get3A_18 : vector<80x128xf32>
    %get3A_20 = arith.constant 480 : index
    %get3A_21 = arith.constant 0 : index
    %get3A_22 = vector.load %arg0[%get3A_20, %get3A_21] : memref<5120x128xf32, #tpu.memory_space<vmem>>, vector<80x128xf32>
    %add3A_23 = arith.addf %add3A_15, %get3A_22 : vector<80x128xf32>
    %get3A_24 = arith.constant 560 : index
    %get3A_25 = arith.constant 0 : index
    %get3A_26 = vector.load %arg0[%get3A_24, %get3A_25] : memref<5120x128xf32, #tpu.memory_space<vmem>>, vector<80x128xf32>
    %add3A_27 = arith.addf %add3A_19, %get3A_26 : vector<80x128xf32>
    %get3A_28 = arith.constant 640 : index
    %get3A_29 = arith.constant 0 : index
    %get3A_30 = vector.load %arg0[%get3A_28, %get3A_29] : memref<5120x128xf32, #tpu.memory_space<vmem>>, vector<80x128xf32>
    %add3A_31 = arith.addf %add3A_23, %get3A_30 : vector<80x128xf32>
    %get3A_32 = arith.constant 720 : index
    %get3A_33 = arith.constant 0 : index
    %get3A_34 = vector.load %arg0[%get3A_32, %get3A_33] : memref<5120x128xf32, #tpu.memory_space<vmem>>, vector<80x128xf32>
    %add3A_35 = arith.addf %add3A_27, %get3A_34 : vector<80x128xf32>
    %get3A_36 = arith.constant 800 : index
    %get3A_37 = arith.constant 0 : index
    %get3A_38 = vector.load %arg0[%get3A_36, %get3A_37] : memref<5120x128xf32, #tpu.memory_space<vmem>>, vector<80x128xf32>
    %add3A_39 = arith.addf %add3A_31, %get3A_38 : vector<80x128xf32>
    %get3A_40 = arith.constant 880 : index
    %get3A_41 = arith.constant 0 : index
    %get3A_42 = vector.load %arg0[%get3A_40, %get3A_41] : memref<5120x128xf32, #tpu.memory_space<vmem>>, vector<80x128xf32>
    %add3A_43 = arith.addf %add3A_35, %get3A_42 : vector<80x128xf32>
    %get3A_44 = arith.constant 960 : index
    %get3A_45 = arith.constant 0 : index
    %get3A_46 = vector.load %arg0[%get3A_44, %get3A_45] : memref<5120x128xf32, #tpu.memory_space<vmem>>, vector<80x128xf32>
    %add3A_47 = arith.addf %add3A_39, %get3A_46 : vector<80x128xf32>
    %get3A_48 = arith.constant 1040 : index
    %get3A_49 = arith.constant 0 : index
    %get3A_50 = vector.load %arg0[%get3A_48, %get3A_49] : memref<5120x128xf32, #tpu.memory_space<vmem>>, vector<80x128xf32>
    %add3A_51 = arith.addf %add3A_43, %get3A_50 : vector<80x128xf32>
    %get3A_52 = arith.constant 1120 : index
    %get3A_53 = arith.constant 0 : index
    %get3A_54 = vector.load %arg0[%get3A_52, %get3A_53] : memref<5120x128xf32, #tpu.memory_space<vmem>>, vector<80x128xf32>
    %add3A_55 = arith.addf %add3A_47, %get3A_54 : vector<80x128xf32>
    %get3A_56 = arith.constant 1200 : index
    %get3A_57 = arith.constant 0 : index
    %get3A_58 = vector.load %arg0[%get3A_56, %get3A_57] : memref<5120x128xf32, #tpu.memory_space<vmem>>, vector<80x128xf32>
    %add3A_59 = arith.addf %add3A_51, %get3A_58 : vector<80x128xf32>
    %get3A_60 = arith.constant 1280 : index
    %get3A_61 = arith.constant 0 : index
    %get3A_62 = vector.load %arg0[%get3A_60, %get3A_61] : memref<5120x128xf32, #tpu.memory_space<vmem>>, vector<80x128xf32>
    %add3A_63 = arith.addf %add3A_55, %get3A_62 : vector<80x128xf32>
    %get3A_64 = arith.constant 1360 : index
    %get3A_65 = arith.constant 0 : index
    %get3A_66 = vector.load %arg0[%get3A_64, %get3A_65] : memref<5120x128xf32, #tpu.memory_space<vmem>>, vector<80x128xf32>
    %add3A_67 = arith.addf %add3A_59, %get3A_66 : vector<80x128xf32>
    %get3A_68 = arith.constant 1440 : index
    %get3A_69 = arith.constant 0 : index
    %get3A_70 = vector.load %arg0[%get3A_68, %get3A_69] : memref<5120x128xf32, #tpu.memory_space<vmem>>, vector<80x128xf32>
    %add3A_71 = arith.addf %add3A_63, %get3A_70 : vector<80x128xf32>
    %get3A_72 = arith.constant 1520 : index
    %get3A_73 = arith.constant 0 : index
    %get3A_74 = vector.load %arg0[%get3A_72, %get3A_73] : memref<5120x128xf32, #tpu.memory_space<vmem>>, vector<80x128xf32>
    %add3A_75 = arith.addf %add3A_67, %get3A_74 : vector<80x128xf32>
    %get3A_76 = arith.constant 1600 : index
    %get3A_77 = arith.constant 0 : index
    %get3A_78 = vector.load %arg0[%get3A_76, %get3A_77] : memref<5120x128xf32, #tpu.memory_space<vmem>>, vector<80x128xf32>
    %add3A_79 = arith.addf %add3A_71, %get3A_78 : vector<80x128xf32>
    %get3A_80 = arith.constant 1680 : index
    %get3A_81 = arith.constant 0 : index
    %get3A_82 = vector.load %arg0[%get3A_80, %get3A_81] : memref<5120x128xf32, #tpu.memory_space<vmem>>, vector<80x128xf32>
    %add3A_83 = arith.addf %add3A_75, %get3A_82 : vector<80x128xf32>
    %get3A_84 = arith.constant 1760 : index
    %get3A_85 = arith.constant 0 : index
    %get3A_86 = vector.load %arg0[%get3A_84, %get3A_85] : memref<5120x128xf32, #tpu.memory_space<vmem>>, vector<80x128xf32>
    %add3A_87 = arith.addf %add3A_79, %get3A_86 : vector<80x128xf32>
    %get3A_88 = arith.constant 1840 : index
    %get3A_89 = arith.constant 0 : index
    %get3A_90 = vector.load %arg0[%get3A_88, %get3A_89] : memref<5120x128xf32, #tpu.memory_space<vmem>>, vector<80x128xf32>
    %add3A_91 = arith.addf %add3A_83, %get3A_90 : vector<80x128xf32>
    %get3A_92 = arith.constant 1920 : index
    %get3A_93 = arith.constant 0 : index
    %get3A_94 = vector.load %arg0[%get3A_92, %get3A_93] : memref<5120x128xf32, #tpu.memory_space<vmem>>, vector<80x128xf32>
    %add3A_95 = arith.addf %add3A_87, %get3A_94 : vector<80x128xf32>
    %get3A_96 = arith.constant 2000 : index
    %get3A_97 = arith.constant 0 : index
    %get3A_98 = vector.load %arg0[%get3A_96, %get3A_97] : memref<5120x128xf32, #tpu.memory_space<vmem>>, vector<80x128xf32>
    %add3A_99 = arith.addf %add3A_91, %get3A_98 : vector<80x128xf32>
    %get3A_100 = arith.constant 2080 : index
    %get3A_101 = arith.constant 0 : index
    %get3A_102 = vector.load %arg0[%get3A_100, %get3A_101] : memref<5120x128xf32, #tpu.memory_space<vmem>>, vector<80x128xf32>
    %add3A_103 = arith.addf %add3A_95, %get3A_102 : vector<80x128xf32>
    %get3A_104 = arith.constant 2160 : index
    %get3A_105 = arith.constant 0 : index
    %get3A_106 = vector.load %arg0[%get3A_104, %get3A_105] : memref<5120x128xf32, #tpu.memory_space<vmem>>, vector<80x128xf32>
    %add3A_107 = arith.addf %add3A_99, %get3A_106 : vector<80x128xf32>
    %get3A_108 = arith.constant 2240 : index
    %get3A_109 = arith.constant 0 : index
    %get3A_110 = vector.load %arg0[%get3A_108, %get3A_109] : memref<5120x128xf32, #tpu.memory_space<vmem>>, vector<80x128xf32>
    %add3A_111 = arith.addf %add3A_103, %get3A_110 : vector<80x128xf32>
    %get3A_112 = arith.constant 2320 : index
    %get3A_113 = arith.constant 0 : index
    %get3A_114 = vector.load %arg0[%get3A_112, %get3A_113] : memref<5120x128xf32, #tpu.memory_space<vmem>>, vector<80x128xf32>
    %add3A_115 = arith.addf %add3A_107, %get3A_114 : vector<80x128xf32>
    %get3A_116 = arith.constant 2400 : index
    %get3A_117 = arith.constant 0 : index
    %get3A_118 = vector.load %arg0[%get3A_116, %get3A_117] : memref<5120x128xf32, #tpu.memory_space<vmem>>, vector<80x128xf32>
    %add3A_119 = arith.addf %add3A_111, %get3A_118 : vector<80x128xf32>
    %get3A_120 = arith.constant 2480 : index
    %get3A_121 = arith.constant 0 : index
    %get3A_122 = vector.load %arg0[%get3A_120, %get3A_121] : memref<5120x128xf32, #tpu.memory_space<vmem>>, vector<80x128xf32>
    %add3A_123 = arith.addf %add3A_115, %get3A_122 : vector<80x128xf32>
    %get3A_124 = arith.constant 2560 : index
    %get3A_125 = arith.constant 0 : index
    %get3A_126 = vector.load %arg0[%get3A_124, %get3A_125] : memref<5120x128xf32, #tpu.memory_space<vmem>>, vector<80x128xf32>
    %add3A_127 = arith.addf %add3A_119, %get3A_126 : vector<80x128xf32>
    %get3A_128 = arith.constant 2640 : index
    %get3A_129 = arith.constant 0 : index
    %get3A_130 = vector.load %arg0[%get3A_128, %get3A_129] : memref<5120x128xf32, #tpu.memory_space<vmem>>, vector<80x128xf32>
    %add3A_131 = arith.addf %add3A_123, %get3A_130 : vector<80x128xf32>
    %get3A_132 = arith.constant 2720 : index
    %get3A_133 = arith.constant 0 : index
    %get3A_134 = vector.load %arg0[%get3A_132, %get3A_133] : memref<5120x128xf32, #tpu.memory_space<vmem>>, vector<80x128xf32>
    %add3A_135 = arith.addf %add3A_127, %get3A_134 : vector<80x128xf32>
    %get3A_136 = arith.constant 2800 : index
    %get3A_137 = arith.constant 0 : index
    %get3A_138 = vector.load %arg0[%get3A_136, %get3A_137] : memref<5120x128xf32, #tpu.memory_space<vmem>>, vector<80x128xf32>
    %add3A_139 = arith.addf %add3A_131, %get3A_138 : vector<80x128xf32>
    %get3A_140 = arith.constant 2880 : index
    %get3A_141 = arith.constant 0 : index
    %get3A_142 = vector.load %arg0[%get3A_140, %get3A_141] : memref<5120x128xf32, #tpu.memory_space<vmem>>, vector<80x128xf32>
    %add3A_143 = arith.addf %add3A_135, %get3A_142 : vector<80x128xf32>
    %get3A_144 = arith.constant 2960 : index
    %get3A_145 = arith.constant 0 : index
    %get3A_146 = vector.load %arg0[%get3A_144, %get3A_145] : memref<5120x128xf32, #tpu.memory_space<vmem>>, vector<80x128xf32>
    %add3A_147 = arith.addf %add3A_139, %get3A_146 : vector<80x128xf32>
    %get3A_148 = arith.constant 3040 : index
    %get3A_149 = arith.constant 0 : index
    %get3A_150 = vector.load %arg0[%get3A_148, %get3A_149] : memref<5120x128xf32, #tpu.memory_space<vmem>>, vector<80x128xf32>
    %add3A_151 = arith.addf %add3A_143, %get3A_150 : vector<80x128xf32>
    %get3A_152 = arith.constant 3120 : index
    %get3A_153 = arith.constant 0 : index
    %get3A_154 = vector.load %arg0[%get3A_152, %get3A_153] : memref<5120x128xf32, #tpu.memory_space<vmem>>, vector<80x128xf32>
    %add3A_155 = arith.addf %add3A_147, %get3A_154 : vector<80x128xf32>
    %get3A_156 = arith.constant 3200 : index
    %get3A_157 = arith.constant 0 : index
    %get3A_158 = vector.load %arg0[%get3A_156, %get3A_157] : memref<5120x128xf32, #tpu.memory_space<vmem>>, vector<80x128xf32>
    %add3A_159 = arith.addf %add3A_151, %get3A_158 : vector<80x128xf32>
    %get3A_160 = arith.constant 3280 : index
    %get3A_161 = arith.constant 0 : index
    %get3A_162 = vector.load %arg0[%get3A_160, %get3A_161] : memref<5120x128xf32, #tpu.memory_space<vmem>>, vector<80x128xf32>
    %add3A_163 = arith.addf %add3A_155, %get3A_162 : vector<80x128xf32>
    %get3A_164 = arith.constant 3360 : index
    %get3A_165 = arith.constant 0 : index
    %get3A_166 = vector.load %arg0[%get3A_164, %get3A_165] : memref<5120x128xf32, #tpu.memory_space<vmem>>, vector<80x128xf32>
    %add3A_167 = arith.addf %add3A_159, %get3A_166 : vector<80x128xf32>
    %get3A_168 = arith.constant 3440 : index
    %get3A_169 = arith.constant 0 : index
    %get3A_170 = vector.load %arg0[%get3A_168, %get3A_169] : memref<5120x128xf32, #tpu.memory_space<vmem>>, vector<80x128xf32>
    %add3A_171 = arith.addf %add3A_163, %get3A_170 : vector<80x128xf32>
    %get3A_172 = arith.constant 3520 : index
    %get3A_173 = arith.constant 0 : index
    %get3A_174 = vector.load %arg0[%get3A_172, %get3A_173] : memref<5120x128xf32, #tpu.memory_space<vmem>>, vector<80x128xf32>
    %add3A_175 = arith.addf %add3A_167, %get3A_174 : vector<80x128xf32>
    %get3A_176 = arith.constant 3600 : index
    %get3A_177 = arith.constant 0 : index
    %get3A_178 = vector.load %arg0[%get3A_176, %get3A_177] : memref<5120x128xf32, #tpu.memory_space<vmem>>, vector<80x128xf32>
    %add3A_179 = arith.addf %add3A_171, %get3A_178 : vector<80x128xf32>
    %get3A_180 = arith.constant 3680 : index
    %get3A_181 = arith.constant 0 : index
    %get3A_182 = vector.load %arg0[%get3A_180, %get3A_181] : memref<5120x128xf32, #tpu.memory_space<vmem>>, vector<80x128xf32>
    %add3A_183 = arith.addf %add3A_175, %get3A_182 : vector<80x128xf32>
    %get3A_184 = arith.constant 3760 : index
    %get3A_185 = arith.constant 0 : index
    %get3A_186 = vector.load %arg0[%get3A_184, %get3A_185] : memref<5120x128xf32, #tpu.memory_space<vmem>>, vector<80x128xf32>
    %add3A_187 = arith.addf %add3A_179, %get3A_186 : vector<80x128xf32>
    %get3A_188 = arith.constant 3840 : index
    %get3A_189 = arith.constant 0 : index
    %get3A_190 = vector.load %arg0[%get3A_188, %get3A_189] : memref<5120x128xf32, #tpu.memory_space<vmem>>, vector<80x128xf32>
    %add3A_191 = arith.addf %add3A_183, %get3A_190 : vector<80x128xf32>
    %get3A_192 = arith.constant 3920 : index
    %get3A_193 = arith.constant 0 : index
    %get3A_194 = vector.load %arg0[%get3A_192, %get3A_193] : memref<5120x128xf32, #tpu.memory_space<vmem>>, vector<80x128xf32>
    %add3A_195 = arith.addf %add3A_187, %get3A_194 : vector<80x128xf32>
    %get3A_196 = arith.constant 4000 : index
    %get3A_197 = arith.constant 0 : index
    %get3A_198 = vector.load %arg0[%get3A_196, %get3A_197] : memref<5120x128xf32, #tpu.memory_space<vmem>>, vector<80x128xf32>
    %add3A_199 = arith.addf %add3A_191, %get3A_198 : vector<80x128xf32>
    %get3A_200 = arith.constant 4080 : index
    %get3A_201 = arith.constant 0 : index
    %get3A_202 = vector.load %arg0[%get3A_200, %get3A_201] : memref<5120x128xf32, #tpu.memory_space<vmem>>, vector<80x128xf32>
    %add3A_203 = arith.addf %add3A_195, %get3A_202 : vector<80x128xf32>
    %get3A_204 = arith.constant 4160 : index
    %get3A_205 = arith.constant 0 : index
    %get3A_206 = vector.load %arg0[%get3A_204, %get3A_205] : memref<5120x128xf32, #tpu.memory_space<vmem>>, vector<80x128xf32>
    %add3A_207 = arith.addf %add3A_199, %get3A_206 : vector<80x128xf32>
    %get3A_208 = arith.constant 4240 : index
    %get3A_209 = arith.constant 0 : index
    %get3A_210 = vector.load %arg0[%get3A_208, %get3A_209] : memref<5120x128xf32, #tpu.memory_space<vmem>>, vector<80x128xf32>
    %add3A_211 = arith.addf %add3A_203, %get3A_210 : vector<80x128xf32>
    %get3A_212 = arith.constant 4320 : index
    %get3A_213 = arith.constant 0 : index
    %get3A_214 = vector.load %arg0[%get3A_212, %get3A_213] : memref<5120x128xf32, #tpu.memory_space<vmem>>, vector<80x128xf32>
    %add3A_215 = arith.addf %add3A_207, %get3A_214 : vector<80x128xf32>
    %get3A_216 = arith.constant 4400 : index
    %get3A_217 = arith.constant 0 : index
    %get3A_218 = vector.load %arg0[%get3A_216, %get3A_217] : memref<5120x128xf32, #tpu.memory_space<vmem>>, vector<80x128xf32>
    %add3A_219 = arith.addf %add3A_211, %get3A_218 : vector<80x128xf32>
    %get3A_220 = arith.constant 4480 : index
    %get3A_221 = arith.constant 0 : index
    %get3A_222 = vector.load %arg0[%get3A_220, %get3A_221] : memref<5120x128xf32, #tpu.memory_space<vmem>>, vector<80x128xf32>
    %add3A_223 = arith.addf %add3A_215, %get3A_222 : vector<80x128xf32>
    %get3A_224 = arith.constant 4560 : index
    %get3A_225 = arith.constant 0 : index
    %get3A_226 = vector.load %arg0[%get3A_224, %get3A_225] : memref<5120x128xf32, #tpu.memory_space<vmem>>, vector<80x128xf32>
    %add3A_227 = arith.addf %add3A_219, %get3A_226 : vector<80x128xf32>
    %get3A_228 = arith.constant 4640 : index
    %get3A_229 = arith.constant 0 : index
    %get3A_230 = vector.load %arg0[%get3A_228, %get3A_229] : memref<5120x128xf32, #tpu.memory_space<vmem>>, vector<80x128xf32>
    %add3A_231 = arith.addf %add3A_223, %get3A_230 : vector<80x128xf32>
    %get3A_232 = arith.constant 4720 : index
    %get3A_233 = arith.constant 0 : index
    %get3A_234 = vector.load %arg0[%get3A_232, %get3A_233] : memref<5120x128xf32, #tpu.memory_space<vmem>>, vector<80x128xf32>
    %add3A_235 = arith.addf %add3A_227, %get3A_234 : vector<80x128xf32>
    %get3A_236 = arith.constant 4800 : index
    %get3A_237 = arith.constant 0 : index
    %get3A_238 = vector.load %arg0[%get3A_236, %get3A_237] : memref<5120x128xf32, #tpu.memory_space<vmem>>, vector<80x128xf32>
    %add3A_239 = arith.addf %add3A_231, %get3A_238 : vector<80x128xf32>
    %get3A_240 = arith.constant 4880 : index
    %get3A_241 = arith.constant 0 : index
    %get3A_242 = vector.load %arg0[%get3A_240, %get3A_241] : memref<5120x128xf32, #tpu.memory_space<vmem>>, vector<80x128xf32>
    %add3A_243 = arith.addf %add3A_235, %get3A_242 : vector<80x128xf32>
    %get3A_244 = arith.constant 4960 : index
    %get3A_245 = arith.constant 0 : index
    %get3A_246 = vector.load %arg0[%get3A_244, %get3A_245] : memref<5120x128xf32, #tpu.memory_space<vmem>>, vector<80x128xf32>
    %add3A_247 = arith.addf %add3A_239, %get3A_246 : vector<80x128xf32>
    %get3A_248 = arith.constant 5040 : index
    %get3A_249 = arith.constant 0 : index
    %get3A_250 = vector.load %arg0[%get3A_248, %get3A_249] : memref<5120x128xf32, #tpu.memory_space<vmem>>, vector<80x128xf32>
    %add3A_251 = arith.addf %add3A_243, %get3A_250 : vector<80x128xf32>
    %ne3A = arith.constant 0.000000e+00 : f32
    %ne3A_252 = vector.broadcast %ne3A : f32 to vector<80x128xf32>
    %ne3A_253 = arith.cmpf one, %add3A_247, %ne3A_252 : vector<80x128xf32>
    %div3A = arith.divf %add3A_251, %add3A_247 : vector<80x128xf32>
    %jit3A = arith.constant 0.000000e+00 : f32
    %broadcast_in_dim3A = vector.broadcast %jit3A : f32 to vector<80x128xf32>
    %select_n3A = arith.select %ne3A_253, %div3A, %broadcast_in_dim3A : vector<80x128xi1>, vector<80x128xf32>
    %swap3A = arith.constant 0 : index
    %swap3A_254 = arith.constant 0 : index
    %swap3A_255 = vector.load %arg1[%swap3A, %swap3A_254] : memref<80x128xf32, #tpu.memory_space<vmem>>, vector<80x128xf32>
    tpu.vector_store %arg1[%swap3A, %swap3A_254], %select_n3A {strides = array<i32>} : memref<80x128xf32, #tpu.memory_space<vmem>>, vector<80x128xf32>,
    return
  }
}

module attributes {stable_mosaic.version = 14 : i64} {
  func.func @_scores_body(%arg0: memref<10000x128xf32, #tpu.memory_space<hbm>>, %arg1: memref<128x32xf32, #tpu.memory_space<vmem>>, %arg2: memref<2560x128xf32, #tpu.memory_space<vmem>>, %arg3: memref<1x1xf32, #tpu.memory_space<smem>>, %arg4: memref<2560x128xf32, #tpu.memory_space<vmem>>, %arg5: memref<2560x128xf32, #tpu.memory_space<vmem>>, %arg6: memref<!tpu.dma_semaphore, #tpu.memory_space<semaphore_mem>>, %arg7: memref<!tpu.dma_semaphore, #tpu.memory_space<semaphore_mem>>) attributes {dimension_semantics = [], scalar_prefetch = 0 : i64, scratch_operands = 4 : i64, tpu.core_type = #tpu.core_type<tc>} {
    %get3A = arith.constant 0 : index
    %get3A_0 = arith.constant 0 : index
    %get3A_1 = vector.load %arg1[%get3A, %get3A_0] : memref<128x32xf32, #tpu.memory_space<vmem>>, vector<128x32xf32>
    %dma_start3A = arith.constant 0 : i32
    %dma_start3A_2 = arith.constant 0 : i32
    %dma_start3A_3 = tpu.memref_slice %arg4[%dma_start3A, %dma_start3A_2] : memref<2560x128xf32, #tpu.memory_space<vmem>> -> memref<2560x128xf32, #tpu.memory_space<vmem>>
    %dma_start3A_4 = arith.constant 0 : i32
    %dma_start3A_5 = arith.constant 0 : i32
    %dma_start3A_6 = tpu.memref_slice %arg0[%dma_start3A_4, %dma_start3A_5] : memref<10000x128xf32, #tpu.memory_space<hbm>> -> memref<2560x128xf32, #tpu.memory_space<hbm>>
    tpu.enqueue_dma source(%dma_start3A_6 : memref<2560x128xf32, #tpu.memory_space<hbm>>) target(%dma_start3A_3 : memref<2560x128xf32, #tpu.memory_space<vmem>>) target_semaphore(%arg6 : memref<!tpu.dma_semaphore, #tpu.memory_space<semaphore_mem>>)
    %dma_start3A_7 = arith.constant 0 : i32
    %dma_start3A_8 = arith.constant 0 : i32
    %dma_start3A_9 = tpu.memref_slice %arg5[%dma_start3A_7, %dma_start3A_8] : memref<2560x128xf32, #tpu.memory_space<vmem>> -> memref<2560x128xf32, #tpu.memory_space<vmem>>
    %dma_start3A_10 = arith.constant 2560 : i32
    %dma_start3A_11 = arith.constant 0 : i32
    %dma_start3A_12 = tpu.memref_slice %arg0[%dma_start3A_10, %dma_start3A_11] : memref<10000x128xf32, #tpu.memory_space<hbm>> -> memref<2560x128xf32, #tpu.memory_space<hbm>>
    tpu.enqueue_dma source(%dma_start3A_12 : memref<2560x128xf32, #tpu.memory_space<hbm>>) target(%dma_start3A_9 : memref<2560x128xf32, #tpu.memory_space<vmem>>) target_semaphore(%arg7 : memref<!tpu.dma_semaphore, #tpu.memory_space<semaphore_mem>>)
    %dma_wait3A = arith.constant 0 : i32
    %dma_wait3A_13 = arith.constant 0 : i32
    %dma_wait3A_14 = tpu.memref_slice %arg4[%dma_wait3A, %dma_wait3A_13] : memref<2560x128xf32, #tpu.memory_space<vmem>> -> memref<2560x128xf32, #tpu.memory_space<vmem>>
    %dma_wait3A_15 = arith.constant 0 : i32
    %dma_wait3A_16 = arith.constant 0 : i32
    %dma_wait3A_17 = tpu.memref_slice %arg0[%dma_wait3A_15, %dma_wait3A_16] : memref<10000x128xf32, #tpu.memory_space<hbm>> -> memref<2560x128xf32, #tpu.memory_space<hbm>>
    tpu.wait_dma2 semaphore(%arg6 : memref<!tpu.dma_semaphore, #tpu.memory_space<semaphore_mem>>) src(%dma_wait3A_17 : memref<2560x128xf32, #tpu.memory_space<hbm>>) dst(%dma_wait3A_14 : memref<2560x128xf32, #tpu.memory_space<vmem>>)
    %get3A_18 = arith.constant 0 : index
    %get3A_19 = arith.constant 0 : index
    %get3A_20 = vector.load %arg4[%get3A_18, %get3A_19] : memref<2560x128xf32, #tpu.memory_space<vmem>>, vector<2560x128xf32>
    %dot_general3A = arith.constant dense<0.000000e+00> : vector<2560x32xf32>
    %dot_general3A_21 = tpu.matmul %get3A_20, %get3A_1, %dot_general3A {dimension_numbers = #tpu.dot_dimension_numbers<[1], [0], [0], [1], [0, 0, 1, 1], [], []>, precision = #tpu.contract_precision<fp32>, transpose_lhs_hint = false} : vector<2560x128xf32>, vector<128x32xf32>, vector<2560x32xf32> -> vector<2560x32xf32>
    %dma_start3A_22 = arith.constant 0 : i32
    %dma_start3A_23 = arith.constant 0 : i32
    %dma_start3A_24 = tpu.memref_slice %arg4[%dma_start3A_22, %dma_start3A_23] : memref<2560x128xf32, #tpu.memory_space<vmem>> -> memref<2560x128xf32, #tpu.memory_space<vmem>>
    %dma_start3A_25 = arith.constant 5120 : i32
    %dma_start3A_26 = arith.constant 0 : i32
    %dma_start3A_27 = tpu.memref_slice %arg0[%dma_start3A_25, %dma_start3A_26] : memref<10000x128xf32, #tpu.memory_space<hbm>> -> memref<2560x128xf32, #tpu.memory_space<hbm>>
    tpu.enqueue_dma source(%dma_start3A_27 : memref<2560x128xf32, #tpu.memory_space<hbm>>) target(%dma_start3A_24 : memref<2560x128xf32, #tpu.memory_space<vmem>>) target_semaphore(%arg6 : memref<!tpu.dma_semaphore, #tpu.memory_space<semaphore_mem>>)
    %slice3A = vector.extract_strided_slice %dot_general3A_21 {offsets = [0, 0], sizes = [2560, 16], strides = [1, 1]} : vector<2560x32xf32> to vector<2560x16xf32>
    %reduce_max3A = vector.shape_cast %slice3A : vector<2560x16xf32> to vector<1x2560x16xf32>
    %reduce_max3A_28 = arith.constant dense<0xFF800000> : vector<1xf32>
    %reduce_max3A_29 = vector.multi_reduction <maximumf>, %reduce_max3A, %reduce_max3A_28 [1, 2] : vector<1x2560x16xf32> to vector<1xf32>
    %reduce_max3A_30 = vector.shape_cast %reduce_max3A_29 : vector<1xf32> to vector<1x1x1xf32>
    %reduce_max3A_31 = vector.extract %reduce_max3A_30[0, 0, 0] : f32 from vector<1x1x1xf32>
    %slice3A_32 = vector.extract_strided_slice %dot_general3A_21 {offsets = [0, 16], sizes = [2560, 16], strides = [1, 1]} : vector<2560x32xf32> to vector<2560x16xf32>
    %reduce_max3A_33 = vector.shape_cast %slice3A_32 : vector<2560x16xf32> to vector<1x2560x16xf32>
    %reduce_max3A_34 = arith.constant dense<0xFF800000> : vector<1xf32>
    %reduce_max3A_35 = vector.multi_reduction <maximumf>, %reduce_max3A_33, %reduce_max3A_34 [1, 2] : vector<1x2560x16xf32> to vector<1xf32>
    %reduce_max3A_36 = vector.shape_cast %reduce_max3A_35 : vector<1xf32> to vector<1x1x1xf32>
    %reduce_max3A_37 = vector.extract %reduce_max3A_36[0, 0, 0] : f32 from vector<1x1x1xf32>
    %dma_wait3A_38 = arith.constant 0 : i32
    %dma_wait3A_39 = arith.constant 0 : i32
    %dma_wait3A_40 = tpu.memref_slice %arg5[%dma_wait3A_38, %dma_wait3A_39] : memref<2560x128xf32, #tpu.memory_space<vmem>> -> memref<2560x128xf32, #tpu.memory_space<vmem>>
    %dma_wait3A_41 = arith.constant 2560 : i32
    %dma_wait3A_42 = arith.constant 0 : i32
    %dma_wait3A_43 = tpu.memref_slice %arg0[%dma_wait3A_41, %dma_wait3A_42] : memref<10000x128xf32, #tpu.memory_space<hbm>> -> memref<2560x128xf32, #tpu.memory_space<hbm>>
    tpu.wait_dma2 semaphore(%arg7 : memref<!tpu.dma_semaphore, #tpu.memory_space<semaphore_mem>>) src(%dma_wait3A_43 : memref<2560x128xf32, #tpu.memory_space<hbm>>) dst(%dma_wait3A_40 : memref<2560x128xf32, #tpu.memory_space<vmem>>)
    %get3A_44 = arith.constant 0 : index
    %get3A_45 = arith.constant 0 : index
    %get3A_46 = vector.load %arg5[%get3A_44, %get3A_45] : memref<2560x128xf32, #tpu.memory_space<vmem>>, vector<2560x128xf32>
    %dot_general3A_47 = arith.constant dense<0.000000e+00> : vector<2560x32xf32>
    %dot_general3A_48 = tpu.matmul %get3A_46, %get3A_1, %dot_general3A_47 {dimension_numbers = #tpu.dot_dimension_numbers<[1], [0], [0], [1], [0, 0, 1, 1], [], []>, precision = #tpu.contract_precision<fp32>, transpose_lhs_hint = false} : vector<2560x128xf32>, vector<128x32xf32>, vector<2560x32xf32> -> vector<2560x32xf32>
    %dma_start3A_49 = arith.constant 0 : i32
    %dma_start3A_50 = arith.constant 0 : i32
    %dma_start3A_51 = tpu.memref_slice %arg5[%dma_start3A_49, %dma_start3A_50] : memref<2560x128xf32, #tpu.memory_space<vmem>> -> memref<2320x128xf32, #tpu.memory_space<vmem>>
    %dma_start3A_52 = arith.constant 7680 : i32
    %dma_start3A_53 = arith.constant 0 : i32
    %dma_start3A_54 = tpu.memref_slice %arg0[%dma_start3A_52, %dma_start3A_53] : memref<10000x128xf32, #tpu.memory_space<hbm>> -> memref<2320x128xf32, #tpu.memory_space<hbm>>
    tpu.enqueue_dma source(%dma_start3A_54 : memref<2320x128xf32, #tpu.memory_space<hbm>>) target(%dma_start3A_51 : memref<2320x128xf32, #tpu.memory_space<vmem>>) target_semaphore(%arg7 : memref<!tpu.dma_semaphore, #tpu.memory_space<semaphore_mem>>)
    %slice3A_55 = vector.extract_strided_slice %dot_general3A_48 {offsets = [0, 0], sizes = [2560, 16], strides = [1, 1]} : vector<2560x32xf32> to vector<2560x16xf32>
    %reduce_max3A_56 = vector.shape_cast %slice3A_55 : vector<2560x16xf32> to vector<1x2560x16xf32>
    %reduce_max3A_57 = arith.constant dense<0xFF800000> : vector<1xf32>
    %reduce_max3A_58 = vector.multi_reduction <maximumf>, %reduce_max3A_56, %reduce_max3A_57 [1, 2] : vector<1x2560x16xf32> to vector<1xf32>
    %reduce_max3A_59 = vector.shape_cast %reduce_max3A_58 : vector<1xf32> to vector<1x1x1xf32>
    %reduce_max3A_60 = vector.extract %reduce_max3A_59[0, 0, 0] : f32 from vector<1x1x1xf32>
    %slice3A_61 = vector.extract_strided_slice %dot_general3A_48 {offsets = [0, 16], sizes = [2560, 16], strides = [1, 1]} : vector<2560x32xf32> to vector<2560x16xf32>
    %reduce_max3A_62 = vector.shape_cast %slice3A_61 : vector<2560x16xf32> to vector<1x2560x16xf32>
    %reduce_max3A_63 = arith.constant dense<0xFF800000> : vector<1xf32>
    %reduce_max3A_64 = vector.multi_reduction <maximumf>, %reduce_max3A_62, %reduce_max3A_63 [1, 2] : vector<1x2560x16xf32> to vector<1xf32>
    %reduce_max3A_65 = vector.shape_cast %reduce_max3A_64 : vector<1xf32> to vector<1x1x1xf32>
    %reduce_max3A_66 = vector.extract %reduce_max3A_65[0, 0, 0] : f32 from vector<1x1x1xf32>
    %dma_wait3A_67 = arith.constant 0 : i32
    %dma_wait3A_68 = arith.constant 0 : i32
    %dma_wait3A_69 = tpu.memref_slice %arg4[%dma_wait3A_67, %dma_wait3A_68] : memref<2560x128xf32, #tpu.memory_space<vmem>> -> memref<2560x128xf32, #tpu.memory_space<vmem>>
    %dma_wait3A_70 = arith.constant 5120 : i32
    %dma_wait3A_71 = arith.constant 0 : i32
    %dma_wait3A_72 = tpu.memref_slice %arg0[%dma_wait3A_70, %dma_wait3A_71] : memref<10000x128xf32, #tpu.memory_space<hbm>> -> memref<2560x128xf32, #tpu.memory_space<hbm>>
    tpu.wait_dma2 semaphore(%arg6 : memref<!tpu.dma_semaphore, #tpu.memory_space<semaphore_mem>>) src(%dma_wait3A_72 : memref<2560x128xf32, #tpu.memory_space<hbm>>) dst(%dma_wait3A_69 : memref<2560x128xf32, #tpu.memory_space<vmem>>)
    %get3A_73 = arith.constant 0 : index
    %get3A_74 = arith.constant 0 : index
    %get3A_75 = vector.load %arg4[%get3A_73, %get3A_74] : memref<2560x128xf32, #tpu.memory_space<vmem>>, vector<2560x128xf32>
    %dot_general3A_76 = arith.constant dense<0.000000e+00> : vector<2560x32xf32>
    %dot_general3A_77 = tpu.matmul %get3A_75, %get3A_1, %dot_general3A_76 {dimension_numbers = #tpu.dot_dimension_numbers<[1], [0], [0], [1], [0, 0, 1, 1], [], []>, precision = #tpu.contract_precision<fp32>, transpose_lhs_hint = false} : vector<2560x128xf32>, vector<128x32xf32>, vector<2560x32xf32> -> vector<2560x32xf32>
    %slice3A_78 = vector.extract_strided_slice %dot_general3A_77 {offsets = [0, 0], sizes = [2560, 16], strides = [1, 1]} : vector<2560x32xf32> to vector<2560x16xf32>
    %reduce_max3A_79 = vector.shape_cast %slice3A_78 : vector<2560x16xf32> to vector<1x2560x16xf32>
    %reduce_max3A_80 = arith.constant dense<0xFF800000> : vector<1xf32>
    %reduce_max3A_81 = vector.multi_reduction <maximumf>, %reduce_max3A_79, %reduce_max3A_80 [1, 2] : vector<1x2560x16xf32> to vector<1xf32>
    %reduce_max3A_82 = vector.shape_cast %reduce_max3A_81 : vector<1xf32> to vector<1x1x1xf32>
    %reduce_max3A_83 = vector.extract %reduce_max3A_82[0, 0, 0] : f32 from vector<1x1x1xf32>
    %slice3A_84 = vector.extract_strided_slice %dot_general3A_77 {offsets = [0, 16], sizes = [2560, 16], strides = [1, 1]} : vector<2560x32xf32> to vector<2560x16xf32>
    %reduce_max3A_85 = vector.shape_cast %slice3A_84 : vector<2560x16xf32> to vector<1x2560x16xf32>
    %reduce_max3A_86 = arith.constant dense<0xFF800000> : vector<1xf32>
    %reduce_max3A_87 = vector.multi_reduction <maximumf>, %reduce_max3A_85, %reduce_max3A_86 [1, 2] : vector<1x2560x16xf32> to vector<1xf32>
    %reduce_max3A_88 = vector.shape_cast %reduce_max3A_87 : vector<1xf32> to vector<1x1x1xf32>
    %reduce_max3A_89 = vector.extract %reduce_max3A_88[0, 0, 0] : f32 from vector<1x1x1xf32>
    %dma_wait3A_90 = arith.constant 0 : i32
    %dma_wait3A_91 = arith.constant 0 : i32
    %dma_wait3A_92 = tpu.memref_slice %arg5[%dma_wait3A_90, %dma_wait3A_91] : memref<2560x128xf32, #tpu.memory_space<vmem>> -> memref<2320x128xf32, #tpu.memory_space<vmem>>
    %dma_wait3A_93 = arith.constant 7680 : i32
    %dma_wait3A_94 = arith.constant 0 : i32
    %dma_wait3A_95 = tpu.memref_slice %arg0[%dma_wait3A_93, %dma_wait3A_94] : memref<10000x128xf32, #tpu.memory_space<hbm>> -> memref<2320x128xf32, #tpu.memory_space<hbm>>
    tpu.wait_dma2 semaphore(%arg7 : memref<!tpu.dma_semaphore, #tpu.memory_space<semaphore_mem>>) src(%dma_wait3A_95 : memref<2320x128xf32, #tpu.memory_space<hbm>>) dst(%dma_wait3A_92 : memref<2320x128xf32, #tpu.memory_space<vmem>>)
    %get3A_96 = arith.constant 0 : index
    %get3A_97 = arith.constant 0 : index
    %get3A_98 = vector.load %arg5[%get3A_96, %get3A_97] : memref<2560x128xf32, #tpu.memory_space<vmem>>, vector<2320x128xf32>
    %dot_general3A_99 = arith.constant dense<0.000000e+00> : vector<2320x32xf32>
    %dot_general3A_100 = tpu.matmul %get3A_98, %get3A_1, %dot_general3A_99 {dimension_numbers = #tpu.dot_dimension_numbers<[1], [0], [0], [1], [0, 0, 1, 1], [], []>, precision = #tpu.contract_precision<fp32>, transpose_lhs_hint = false} : vector<2320x128xf32>, vector<128x32xf32>, vector<2320x32xf32> -> vector<2320x32xf32>
    %slice3A_101 = vector.extract_strided_slice %dot_general3A_100 {offsets = [0, 0], sizes = [2320, 16], strides = [1, 1]} : vector<2320x32xf32> to vector<2320x16xf32>
    %reduce_max3A_102 = vector.shape_cast %slice3A_101 : vector<2320x16xf32> to vector<1x2320x16xf32>
    %reduce_max3A_103 = arith.constant dense<0xFF800000> : vector<1xf32>
    %reduce_max3A_104 = vector.multi_reduction <maximumf>, %reduce_max3A_102, %reduce_max3A_103 [1, 2] : vector<1x2320x16xf32> to vector<1xf32>
    %reduce_max3A_105 = vector.shape_cast %reduce_max3A_104 : vector<1xf32> to vector<1x1x1xf32>
    %reduce_max3A_106 = vector.extract %reduce_max3A_105[0, 0, 0] : f32 from vector<1x1x1xf32>
    %slice3A_107 = vector.extract_strided_slice %dot_general3A_100 {offsets = [0, 16], sizes = [2320, 16], strides = [1, 1]} : vector<2320x32xf32> to vector<2320x16xf32>
    %reduce_max3A_108 = vector.shape_cast %slice3A_107 : vector<2320x16xf32> to vector<1x2320x16xf32>
    %reduce_max3A_109 = arith.constant dense<0xFF800000> : vector<1xf32>
    %reduce_max3A_110 = vector.multi_reduction <maximumf>, %reduce_max3A_108, %reduce_max3A_109 [1, 2] : vector<1x2320x16xf32> to vector<1xf32>
    %reduce_max3A_111 = vector.shape_cast %reduce_max3A_110 : vector<1xf32> to vector<1x1x1xf32>
    %reduce_max3A_112 = vector.extract %reduce_max3A_111[0, 0, 0] : f32 from vector<1x1x1xf32>
    %broadcast_in_dim3A = arith.constant 0.000000e+00 : f32
    %broadcast_in_dim3A_113 = vector.broadcast %broadcast_in_dim3A : f32 to vector<240x32xf32>
    %concatenate3A = tpu.concatenate %dot_general3A_100, %broadcast_in_dim3A_113 in 0 : vector<2320x32xf32>, vector<240x32xf32> -> vector<2560x32xf32>
    %concatenate3A_114 = tpu.concatenate %dot_general3A_21, %dot_general3A_48, %dot_general3A_77, %concatenate3A in 1 : vector<2560x32xf32>, vector<2560x32xf32>, vector<2560x32xf32>, vector<2560x32xf32> -> vector<2560x128xf32>
    %swap3A = arith.constant 0 : index
    %swap3A_115 = arith.constant 0 : index
    %swap3A_116 = vector.load %arg2[%swap3A, %swap3A_115] : memref<2560x128xf32, #tpu.memory_space<vmem>>, vector<2560x128xf32>
    tpu.vector_store %arg2[%swap3A, %swap3A_115], %concatenate3A_114 {strides = array<i32>} : memref<2560x128xf32, #tpu.memory_space<vmem>>, vector<2560x128xf32>,
    %max3A = arith.maximumf %reduce_max3A_31, %reduce_max3A_60 : f32
    %max3A_117 = arith.maximumf %reduce_max3A_83, %reduce_max3A_106 : f32
    %max3A_118 = arith.maximumf %max3A, %max3A_117 : f32
    %max3A_119 = arith.maximumf %reduce_max3A_37, %reduce_max3A_66 : f32
    %max3A_120 = arith.maximumf %reduce_max3A_89, %reduce_max3A_112 : f32
    %max3A_121 = arith.maximumf %max3A_119, %max3A_120 : f32
    %add3A = arith.addf %max3A_118, %max3A_121 : f32
    %mul3A = arith.constant 2.000000e-01 : f32
    %mul3A_122 = arith.mulf %mul3A, %add3A : f32
    %max3A_123 = arith.maximumf %add3A, %mul3A_122 : f32
    %swap3A_124 = arith.constant 0 : index
    %swap3A_125 = arith.constant 0 : index
    %swap3A_126 = memref.load %arg3[%swap3A_124, %swap3A_125] : memref<1x1xf32, #tpu.memory_space<smem>>
    memref.store %max3A_123, %arg3[%swap3A_124, %swap3A_125] : memref<1x1xf32, #tpu.memory_space<smem>>
    return
  }
}

</mosaic_0001>

<sc_bundles>
// kernel: kernel.5.cloned.1.call-start
scs
__scs_entry_jumppad:
0x0: {  	(pc) =	sbr.rel $0x88, $3  }
0x1: {  	(tag) =	ssettag $0x0;
	lr =	simm.s32 $0x1  }
0x2: {  	[smem:$0x3F9C] =	sst lr;
	_ =	strace $0xD0000000  }
0x3: {  	_ = 	snop  }
0x4: {  	_ = 	snop  }
0x5: {  	_ = 	snop  }
0x6: {  	_ = 	snop  }
0x7: {  	_ = 	snop  }
__scs_overlays_trampoline_lowered:
0x8: {  	[smem:$0x3FAB] =	sst s0  }
0x9: {  	[smem:$0x3FAC] =	sst s1  }
0xa: {  	[smem:$0x3FAD] =	sst s2  }
0xb: {  	[smem:$0x3FAE] =	sst s3  }
0xc: {  	[smem:$0x3FAF] =	sst s4  }
0xd: {  	[smem:$0x3FB0] =	sst s5  }
0xe: {  	[smem:$0x3FB1] =	sst s6  }
0xf: {  	[smem:$0x3FB2] =	sst s7  }
0x10: {  	[smem:$0x3FB3] =	sst s8  }
0x11: {  	[smem:$0x3FB4] =	sst s9;
	s0 =	simm.s32 @!p0 $0x0  }
0x12: {  	s1 =	sld [smem:$0x3F9A];
	s0 =	simm.s32 @p0 $0x1  }
0x13: {  	[smem:$0x3FB5] =	sst s0;
	s0 =	simm.s32 @!p1 $0x0  }
0x14: {  	s2 =	sld [smem:$0x3F99];
	s0 =	simm.s32 @p1 $0x1  }
0x15: {  	[smem:$0x3FB6] =	sst s0;
	s0 =	simm.s32 @!p2 $0x0  }
0x16: {  	s3 =	sld [smem:$0x3FDB];
	s0 =	simm.s32 @p2 $0x1  }
0x17: {  	s4 =	simm.s32 $0x1BF5;
	[smem:$0x3FB8] =	sst s0  }
0x18: {  	s0 =	sld [smem:$0x3F9B];
	_ =	swait.ge [sflag:s4], $0x0  }
0x19: {  	s7 =	sld [smem:$0x3F9C]  }
0x1a: {  	s8 =	sadd.s32 $0xFFFFE003, lr  }
0x1b: {  	s9 =	sadd.s32 $0xFFFFFEF7, lr;
	s5 =	simm.s32 $0xFFFFFFFF;
	p2 =	slt.u32 s8, $0xFFFFF086  }
0x1c: {  	p1 =	slt.u32 s9, $0xF7A;
	s5 =	simm.s32 @!p2 $0x0  }
0x1d: {  	s5 =	simm.s32 @p1 $0x1;
	p0 =	seq.s32 s7, s2  }
0x1e: {  	s7 =	smul.u32 @!p0 $0xF7A, s2;
	p2 =	seq.s32 @!p0 s5, $0x0  }
0x1f: {  	s9 =	smul.u32 $0xF7A, s1;
	s8 =	simm.s32 @!p0 $0x1BF5;
	p2 =	por !p2, p0  }
0x20: {  	[sflag:s8] =	ssyncset.s32 @!p0 $0xFFFFF086;
	s6 =	sadd.s32 @!p0 s3, s7;
	s7 =	simm.s32 @!p0 $0x108  }
0x21: {  	s3 =	sadd.s32 s3, s9;
	s6 =	sadd.s32 @!p0 $0x88, s6;
	s7 =	simm.s32 @p2 $0x1082  }
0x22: {  	[simem:s7], [sflag:s8] =	dma.local @!p0 [hbm:s6], $0xF7A  }
0x23: {  	s9 =	sor.u32 $0xD0000000, s2;
	s6 =	simm.s32 $0x108;
	_ =	swait.ge @!p0 [sflag:s8], $0x0  }
0x24: {  	s3 =	sadd.s32 $0x88, s3;
	s6 =	simm.s32 @!p1 $0x1082;
	[sflag:s4] =	ssyncset.s32 $0xFFFFF086  }
0x25: {  	[simem:s6], [sflag:s4] =	dma.local [hbm:s3], $0xF7A  }
0x26: {  	[smem:$0x3F9C] =	sst s1;
	(tag) =	ssettag s2;
	_ =	strace s9  }
0x27: {  	s1 =	sld [smem:$0x3FAC]  }
0x28: {  	s2 =	sld [smem:$0x3FAD]  }
0x29: {  	s4 =	sld [smem:$0x3FAF]  }
0x2a: {  	p0 =	seq.s32 s5, $0x0;
	s5 =	sld [smem:$0x3FB0]  }
0x2b: {  	s6 =	sld [smem:$0x3FB1]  }
0x2c: {  	s7 =	sld [smem:$0x3FB2]  }
0x2d: {  	s3 =	simm.s32 $0x108;
	s8 =	sld [smem:$0x3FB3]  }
0x2e: {  	s3 =	simm.s32 @!p0 $0x1082;
	s9 =	sld [smem:$0x3FB4]  }
0x2f: {  	lr =	sadd.s32 s0, s3;
	s0 =	sld [smem:$0x3FAB]  }
0x30: {  	s3 =	sld [smem:$0x3FAE]  }
0x31: {  	[smem:$0x3FB7] =	sst s10  }
0x32: {  	s10 =	sld [smem:$0x3FB5];
	_ =	sdelay $0x3  }
0x33: {  	p0 =	seq.s32 s10, $0x1;
	s10 =	sld [smem:$0x3FB7];
	_ =	sdelay $0x3  }
0x34: {  	[smem:$0x3FB7] =	sst s10  }
0x35: {  	s10 =	sld [smem:$0x3FB6];
	_ =	sdelay $0x3  }
0x36: {  	p1 =	seq.s32 s10, $0x1;
	s10 =	sld [smem:$0x3FB7];
	_ =	sdelay $0x3  }
0x37: {  	[smem:$0x3FB7] =	sst s10  }
0x38: {  	s10 =	sld [smem:$0x3FB8]  }
0x39: {  	_ = 	snop;
	(pc) =	sbr.ind lr, $3  }
0x3a: {  	_ = 	snop  }
0x3b: {  	_ = 	snop  }
0x3c: {  	p2 =	seq.s32 s10, $0x1;
	s10 =	sld [smem:$0x3FB7]  }
0x3d: {  	_ =	shalt  }
0x3e: {  	_ =	shalt  }
0x3f: {  	_ =	shalt  }
0x40: {  	_ =	shalt  }
0x41: {  	_ =	shalt  }
0x42: {  	_ =	shalt  }
0x43: {  	_ =	shalt  }
0x44: {  	_ =	shalt  }
0x45: {  	_ =	shalt  }
0x46: {  	_ =	shalt  }
0x47: {  	_ =	shalt  }
0x48: {  	_ =	shalt  }
0x49: {  	_ =	shalt  }
0x4a: {  	_ =	shalt  }
0x4b: {  	_ =	shalt  }
0x4c: {  	_ =	shalt  }
0x4d: {  	_ =	shalt  }
0x4e: {  	_ =	shalt  }
0x4f: {  	_ =	shalt  }
0x50: {  	_ =	shalt  }
0x51: {  	_ =	shalt  }
0x52: {  	_ =	shalt  }
0x53: {  	_ =	shalt  }
0x54: {  	_ =	shalt  }
0x55: {  	_ =	shalt  }
0x56: {  	_ =	shalt  }
0x57: {  	_ =	shalt  }
0x58: {  	_ =	shalt  }
0x59: {  	_ =	shalt  }
0x5a: {  	_ =	shalt  }
0x5b: {  	_ =	shalt  }
0x5c: {  	_ =	shalt  }
0x5d: {  	_ =	shalt  }
0x5e: {  	_ =	shalt  }
0x5f: {  	_ =	shalt  }
0x60: {  	_ =	shalt  }
0x61: {  	_ =	shalt  }
0x62: {  	_ =	shalt  }
0x63: {  	_ =	shalt  }
0x64: {  	_ =	shalt  }
0x65: {  	_ =	shalt  }
0x66: {  	_ =	shalt  }
0x67: {  	_ =	shalt  }
0x68: {  	_ =	shalt  }
0x69: {  	_ =	shalt  }
0x6a: {  	_ =	shalt  }
0x6b: {  	_ =	shalt  }
0x6c: {  	_ =	shalt  }
0x6d: {  	_ =	shalt  }
0x6e: {  	_ =	shalt  }
0x6f: {  	_ =	shalt  }
0x70: {  	_ =	shalt  }
0x71: {  	_ =	shalt  }
0x72: {  	_ =	shalt  }
0x73: {  	_ =	shalt  }
0x74: {  	_ =	shalt  }
0x75: {  	_ =	shalt  }
0x76: {  	_ =	shalt  }
0x77: {  	_ =	shalt  }
0x78: {  	_ =	shalt  }
0x79: {  	_ =	shalt  }
0x7a: {  	_ =	shalt  }
0x7b: {  	_ =	shalt  }
0x7c: {  	_ =	shalt  }
0x7d: {  	_ =	shalt  }
0x7e: {  	_ =	shalt  }
0x7f: {  	_ =	shalt  }
0x80: {  	_ =	shalt  }
0x81: {  	_ =	shalt  }
0x82: {  	_ =	shalt  }
0x83: {  	_ =	shalt  }
0x84: {  	_ =	shalt  }
0x85: {  	_ =	shalt  }
0x86: {  	_ =	shalt  }
0x87: {  	_ =	shalt  }
.Lfunc_end0:
.L_simem_size_0:
called_computation_lowered:
.L_overlay_start_0:
0x88: {  	s2 =	sld [smem:$0x3FD9]  }
0x89: {  	s3 =	sld [smem:$0x3FFE];
	_ =	sdelay $0x1  }
0x8a: {  	s1 =	srdreg.scid  }
0x8b: {  	s0 =	sand.u32 $0x1, s1  }
0x8c: {  	s17 =	sshll.u32 s0, $0xA;
	s2 =	sadd.s32 s3, s2  }
0x8d: {  	s2 =	sadd.s32 s2, s17  }
0x8e: {  	[smem:$0x3FC3] =	sst s2  }
0x8f: {  	_ = 	snop  }
0x90: {  	s2 =	sld [smem:$0x3FC8]  }
0x91: {  	s18 =	sld [smem:$0x3FC7]  }
0x92: {  	s4 =	sld [smem:$0x3FC6];
	(tm) =	ssettm $0x1  }
0x93: {  	s5 =	sld [smem:$0x3FFB];
	_ =	sdelay $0x3  }
0x94: {  	_ =	strace s5  }
0x95: {  	s5 =	sld [smem:$0x3FFC];
	_ =	sdelay $0x3  }
0x96: {  	_ =	strace s5  }
0x97: {  	s5 =	sld [smem:$0x3FFD];
	_ =	sdelay $0x3  }
0x98: {  	_ =	strace s5  }
0x99: {  	_ =	strace $0x8FFFFFFF  }
0x9a: {  	s19 =	sld [smem:$0x3FDB];
	_ =	sdelay $0x1  }
0x9b: {  	s6 =	simm.s32 $_scs_section_size  }
0x9c: {  	s7 =	simm.s32 $_size__tile_overlayer_lowered;
	s8 =	simm.s32 $_tile_overlayer_lowered  }
0x9d: {  	s22 =	simm.s32 $0x1BFF;
	s21 =	sshll.u32 s8, $0x1;
	s5 =	sadd.s32 s6, s19  }
0x9e: {  	s9 =	simm.s32 $0x0;
	s20 =	sshll.u32 s7, $0x1;
	s7 =	sadd.s32 s21, s5  }
0x9f: {  	[timem:s9], [sflag:s22] =	dma.local [hbm:s7], s20  }
0xa0: {  	_ =	swait.ge [sflag:s22], s20  }
0xa1: {  	s6 =	ssub.s32 $0x0, s20;
	[sflag:s22] =	ssyncset.done $0x0  }
0xa2: {  	[sflag:s22] =	ssyncadd.s32 s6;
	_ =	sdelay $0x1  }
0xa3: {  	s23 =	simm.s32 $0x1B8B  }
0xa4: {  	_ =	swait.ge [sflag:s23], $0x1  }
0xa5: {  	[sflag:s23] =	ssyncset.done $0x0  }
0xa6: {  	s25 =	simm.s32 $0x1B8E;
	s24 =	sld [smem:$0x3FFE];
	[sflag:s23] =	ssyncadd.s32 $0xFFFFFFFF  }
0xa7: {  	s26 =	simm.s32 $execute0_lowered;
	[smem:$0x3FD2] =	sst s25  }
0xa8: {  	s7 =	sshll.u32 s26, $0x1;
	_ =	strace $0x80000046;
	[dreg:$0x1] =	wrdreg $0xFFFFFFFF  }
0xa9: {  	s28 =	simm.s32 $_size_execute0_lowered;
	s5 =	sadd.s32 s5, s7;
	[dreg:$0x0] =	wrdreg $0x0  }
0xaa: {  	s7 =	sshll.u32 s28, $0x1;
	[dreg:$0x2] =	wrdreg s5  }
0xab: {  	[dreg:$0x3] =	wrdreg s7  }
0xac: {  	[dreg:$0x4] =	wrdreg $0xC0  }
0xad: {  	_ =	task [dreg:s9], $0x5FFFF  }
0xae: {  	[dreg:$0x1] =	wrdreg $0xFFFFFFFF  }
0xaf: {  	[dreg:$0x0] =	wrdreg $0x60  }
0xb0: {  	[dreg:$0x2] =	wrdreg s24  }
0xb1: {  	[dreg:$0x3] =	wrdreg s2  }
0xb2: {  	[dreg:$0x4] =	wrdreg s18  }
0xb3: {  	[dreg:$0x5] =	wrdreg s4  }
0xb4: {  	[dreg:$0x6] =	wrdreg $0x190000  }
0xb5: {  	[dreg:$0x7] =	wrdreg $0x9  }
0xb6: {  	_ =	task.clear_ibuf [dreg:s9], $0x8FFFF;
	_ =	strace $0x90000046  }
0xb7: {  	s29 =	simm.s32 $0x9;
	_ =	strace $0x80000048  }
0xb8: {  	_ =	swait.ge [sflag:s29], $0x1  }
0xb9: {  	[sflag:s29] =	ssyncadd.s32 $0xFFFFFFFF  }
0xba: {  	_ =	strace $0x90000048  }
0xbb: {  	_ =	sfence  }
0xbc: {  	s30 =	sld [smem:$0x0];
	_ =	sdelay $0x2  }
0xbd: {  	s31 =	sshll.u32 s1, $0xD;
	s1 =	sshrl.u32 s1, $0x2  }
0xbe: {  	s3 =	sand.u32 $0x4000, s31;
	s1 =	sadd.s32 s1, s30  }
0xbf: {  	s0 =	sor.u32 s3, s0;
	s1 =	sshll.u32 s1, $0x11  }
0xc0: {  	s0 =	sor.u32 s1, s0  }
0xc1: {  	s0 =	sadd.s32 $0x8F2B, s0  }
0xc2: {  	[sflag:s0] =	ssyncadd.remote.s32 $0x1  }
0xc3: {  	_ =	sfence.sel $0xFFFF  }
0xc4: {  	[dreg:$0x0] =	wrdreg $0xFFFFFFFF;
	(pc) =	sbr.abs _section_cstart, $3  }
0xc5: {  	[dreg:$0x1] =	wrdreg $0xFFFFFFFF  }
0xc6: {  	_ =	task.clear_ibuf [dreg:s9], $0x2FFFF;
	_ =	strace $0x9FFFFFFF  }
0xc7: {  	(tm) =	ssettm $0x7FFFFFFF  }
tec
execute0_lowered:
.L_overlay_start_1:
0x0: {  	(tag) =	ssettag $0x1  }
0x1: {  	s0 =	rddreg [dreg:$0x0]  }
0x2: {  	s1 =	rddreg [dreg:$0x2]  }
0x3: {  	s2 =	rddreg [dreg:$0x3];
	s4 =	srdreg.scid  }
0x4: {  	s9 =	stileid.u32;
	s3 =	rddreg [dreg:$0x4];
	s19 =	simm.s32 $0x11800  }
0x5: {  	s20 =	simm.s32 $0x16780;
	s30 =	simm.s32 $0x0;
	s5 =	sand.u32 $0x1, s4  }
0x6: {  	s6 =	sshll.u32 s9, $0x1;
	s4 =	simm.s32 $0x0;
	s8 =	sadd.s32 $0xE00, s0  }
0x7: {  	s10 =	sadd.s32 $0xAE00, s0;
	s9 =	smul.u32 $0x5000, s9;
	s28 =	sadd.s32 $0x9910, s2  }
0x8: {  	s6 =	sor.u32 s5, s6;
	[smem:$0x7FF] =	sst s4;
	s5 =	ssub.s32 $0x2, s5  }
0x9: {  	s7 =	smul.u32 $0x5000, s6;
	_ =	strace $0x80000047;
	[dreg:$0x6] =	wrdreg s10  }
0xa: {  	s21 =	sshrl.u32 s5, $0x1;
	s22 =	smul.u32 $0x9E0, s6;
	s11 =	sshrl.u32 s9, $0x3  }
0xb: {  	s13 =	sadd.s32 $0x2800, s9;
	s12 =	smul.u32 $0x4F0, s6;
	[dreg:$0xc] =	wrdreg s28  }
0xc: {  	s29 =	sadd.s32 s9, s3;
	p0 =	seq.s32 s6, $0x1F;
	s5 =	ssub.s32 s5, s21  }
0xd: {  	s23 =	sadd.s32 s8, s11;
	s24 =	sshrl.u32 s13, $0x3;
	[dreg:$0xd] =	wrdreg s29  }
0xe: {  	s31 =	sadd.s32 s13, s3;
	s21 =	simm.s32 $0x1;
	s7 =	sshrl.u32 s7, $0x3  }
0xf: {  	[dreg:$0x7] =	wrdreg s23;
	s25 =	sadd.s32 s1, s22;
	s26 =	sadd.s32 s2, s12  }
0x10: {  	s1 =	sadd.s32 $0x13220, s1;
	[dreg:$0xe] =	wrdreg s31;
	s16 =	smax.u32 s5, $0x1  }
0x11: {  	s22 =	simm.s32 $0x2;
	s23 =	simm.s32 $0x80;
	[dreg:$0x9] =	wrdreg s25  }
0x12: {  	s0 =	sadd.s32 s7, s0;
	s7 =	sadd.s32 s8, s24;
	[dreg:$0xa] =	wrdreg s26  }
0x13: {  	[dreg:$0xb] =	wrdreg s1;
	s1 =	simm.s32 $0x13F80;
	s24 =	simm.s32 $0x5  }
0x14: {  	s25 =	simm.s32 $0x6;
	s26 =	simm.s32 $0x0;
	[dreg:$0x8] =	wrdreg s7  }
0x15: {  	v0 =	vimm.f32 $0.0e+00;
	v1 =	vimm.s32 $0x2710;
	v2 =	vimm.s32 $0x0;
	s14 =	sadd.s32 $0xB000, s0;
	s15 =	sadd.s32 $0xB500, s0;
	s0 =	simm.s32 $0x4  }
.LBB2_1:
0x16: {  	s2 =	rddreg [dreg:$0x7];
	s7 =	simm.s32 $0xC800  }
0x17: {  	[tilespmem:s7], [sflag:$0x1] =	stream.linear.gather [hbm4b:s2+s4], $0x2800, $0x38;
	[tilespmem:$0x1E000] =	vst v63  }
0x18: {  	s17 =	rddreg [dreg:$0x8];
	s8 =	simm.s32 $0xF000  }
0x19: {  	[tilespmem:s8], [sflag:$0x1] =	stream.linear.gather [hbm4b:s17+s4], $0x2800, $0x38;
	[tilespmem:$0x1E000] =	vst v63  }
0x1a: {  	s18 =	rddreg [dreg:$0x1]  }
0x1b: {  	[tilespmem:s19], [sflag:$0x2] =	stream.linear.gather [hbm4b:s18+s4], $0x2780, $0x38;
	[tilespmem:$0x1E000] =	vst v63  }
0x1c: {  	s28 =	rddreg [dreg:$0x6];
	s5 =	simm.s32 $0x18F80  }
0x1d: {  	[tilespmem:s5], [sflag:$0x2] =	stream.linear.gather [hbm4b:s28+s4], $0x80, $0x38;
	[tilespmem:$0x1E000] =	vst v63  }
0x1e: {  	s2 =	simm.s32 @p0 $0x0;
	s5 =	rddreg [dreg:$0xb]  }
0x1f: {  	[tilespmem:s2], [sflag:$0x3] =	stream.linear.gather @p0 [hbm4b:s5+s2], $0x3300, $0x38;
	[tilespmem:$0x1E000] =	vst v63  }
0x20: {  	s6 =	rddreg [dreg:$0xc];
	s5 =	simm.s32 @p0 $0x5000  }
0x21: {  	[tilespmem:s5], [sflag:$0x3] =	stream.linear.gather @p0 [hbm4b:s6+s2], $0x1980, $0x38;
	[tilespmem:$0x1E000] =	vst v63  }
0x22: {  	s2 =	simm.s32 @!p0 $0x0;
	s5 =	rddreg [dreg:$0x9]  }
0x23: {  	[tilespmem:s2], [sflag:$0x3] =	stream.linear.gather @!p0 [hbm4b:s5+s2], $0x4F00, $0x38;
	[tilespmem:$0x1E000] =	vst v63  }
0x24: {  	s6 =	rddreg [dreg:$0xa];
	s5 =	simm.s32 @!p0 $0x5000  }
0x25: {  	[tilespmem:s5], [sflag:$0x3] =	stream.linear.gather @!p0 [hbm4b:s6+s2], $0x2780, $0x38;
	[tilespmem:$0x1E000] =	vst v63  }
0x26: {  	_ =	swait.ge [sflag:s21], $0x2800  }
0x27: {  	[sflag:s21] =	ssyncset.done $0x0  }
0x28: {  	[sflag:s21] =	ssyncadd.s32 $0xFFFFD800  }
0x29: {  	_ =	swait.ge [sflag:s21], $0x2800  }
0x2a: {  	[sflag:s21] =	ssyncset.done $0x0  }
0x2b: {  	s29 =	rddreg [dreg:$0xd];
	[sflag:s21] =	ssyncadd.s32 $0xFFFFD800  }
0x2c: {  	[spmem:s29] =	stream.linear.scatter [tilespmem:s7], [sflag:$0x1], $0x2800, $0x38;
	[tilespmem:$0x1E000] =	vst v63  }
0x2d: {  	s2 =	simm.s32 $0x40;
	s5 =	simm.s32 $0x0;
	s31 =	rddreg [dreg:$0xe]  }
0x2e: {  	[spmem:s31] =	stream.linear.scatter [tilespmem:s8], [sflag:$0x1], $0x2800, $0x38;
	[tilespmem:$0x1E000] =	vst v63  }
.LBB2_2:
0x2f: {  	p1 =	sne.s32 s2, $0x9FC0;
	[tilespmem:s5+$0x13F80] =	vst v0;
	s6 =	smov.u32 s2;
	s2 =	sadd.s32 $0x40, s2  }
.Ltmp0:
0x30: {  	[tilespmem:s5+$0x16780] =	vst v0;
	(pc) =	sbr.rel @p1 .LBB2_2-.Ltmp0, $2  }
0x31: {  	_ =	sdelay $0x2  }
0x32: {  	s5 =	sshra.s32 s6, $0x2  }
0x33: {  	[tilespmem:s5+$0x13F80] =	vst v0  }
0x34: {  	[tilespmem:s5+$0x16780] =	vst v0;
	s2 =	simm.s32 @p0 $0x3  }
0x35: {  	_ =	swait.ge @p0 [sflag:s2], $0x3300  }
0x36: {  	[sflag:s2] =	ssyncset.done @p0 $0x0  }
0x37: {  	[sflag:s2] =	ssyncadd.s32 @p0 $0xFFFFCD00  }
0x38: {  	_ =	swait.ge @p0 [sflag:s2], $0x1980  }
0x39: {  	[sflag:s2] =	ssyncset.done @p0 $0x0  }
0x3a: {  	s5 =	simm.s32 @!p0 $0x3;
	[sflag:s2] =	ssyncadd.s32 @p0 $0xFFFFE680  }
0x3b: {  	_ =	swait.ge @!p0 [sflag:s5], $0x4F00  }
0x3c: {  	[sflag:s5] =	ssyncset.done @!p0 $0x0  }
0x3d: {  	s6 =	simm.s32 @!p0 $0x278;
	[sflag:s5] =	ssyncadd.s32 @!p0 $0xFFFFB100  }
0x3e: {  	s6 =	simm.s32 @p0 $0x198;
	_ =	swait.ge @!p0 [sflag:s5], $0x2780  }
0x3f: {  	s2 =	sshll.u32 s6, $0x4;
	[sflag:s5] =	ssyncset.done @!p0 $0x0  }
0x40: {  	[sflag:s5] =	ssyncadd.s32 @!p0 $0xFFFFD880;
	s5 =	sshll.u32 s6, $0x5;
	s6 =	sadd.s32 $0x5000, s2  }
.LBB2_4:
0x41: {  	p1 =	sne.s32 s2, $0x27F0  }
.Ltmp1:
0x42: {  	s7 =	sand.u32 $0x70, s2;
	s8 =	sand.u32 $0x7F00, s5;
	(pc) =	sbr.rel @p1 .LBB2_4-.Ltmp1, $4  }
0x43: {  	s7 =	sor.u32 s7, s8  }
0x44: {  	[tilespmem:s7+$0x0] =	vst v1  }
0x45: {  	[tilespmem:s7+$0x80] =	vst v2  }
0x46: {  	s5 =	sadd.s32 $0x20, s5;
	s2 =	sadd.s32 $0x10, s2;
	[tilespmem:s6+$0x0] =	vst v2;
	s6 =	sadd.s32 $0x10, s6  }
0x47: {  	s2 =	simm.s32 $0x0  }
0x48: {  	s5 =	sand.u32 $0x70, s2;
	s2 =	sand.u32 $0x7F00, s2  }
0x49: {  	s2 =	sor.u32 s5, s2  }
0x4a: {  	v3 =	vld [tilespmem:s2+$0x0]  }
0x4b: {  	v4 =	vld [tilespmem:s2+$0x80];
	_ =	sdelay $0x3  }
0x4c: {  	vm0 =	vgt.s32 v3, $0x9FF;
	vm1 =	vgt.s32 v3, $0x1DFF  }
0x4d: {  	vm12 =	vgt.s32 v3, $0x13FF;
	vm13 =	vgt.s32 v4, $0x9FF;
	vm14 =	vgt.s32 v4, $0x13FF  }
0x4e: {  	s2 =	simm.s32 $0x5000;
	vm15 =	vgt.s32 v4, $0x1DFF;
	v5 =	vsel vm0, $0x1, v2;
	v6 =	vsel vm1, $0x1, v2  }
0x4f: {  	v7 =	vld [tilespmem:s2+$0x0];
	v8 =	vsel vm12, $0x1, v2;
	v9 =	vsel vm13, $0x1, v2;
	v10 =	vsel vm14, $0x1, v2  }
0x50: {  	v61 =	vsel vm15, $0x1, v2;
	v5 =	vadd.s32 v8, v5;
	v60 =	vadd.s32 v10, v9  }
0x51: {  	v5 =	vadd.s32 v6, v5;
	v62 =	vadd.s32 v61, v60  }
0x52: {  	v63 =	vmul.u32 $0x1FFF600, v5;
	v9 =	vmul.u32 $0x1FFF600, v62  }
0x53: {  	v5 =	vshll.u32 v5, $0x5;
	v6 =	vshll.u32 v62, $0x5  }
0x54: {  	v5 =	vadd.s32 v7, v5;
	v3 =	vadd.s32 v3, v63;
	v4 =	vadd.s32 v4, v9  }
0x55: {  	v6 =	vadd.s32 v6, v7;
	v3 =	vshll.u32 v3, $0x7;
	v4 =	vshll.u32 v4, $0x7  }
0x56: {  	s8 =	simm.s32 $0x10;
	s7 =	simm.s32 $0x20;
	s5 =	simm.s32 $0x7800;
	v3 =	vadd.s32 v3, v5;
	v4 =	vadd.s32 v4, v6  }
0x57: {  	s6 =	simm.s32 $0xA000;
	s8 =	sand.u32 $0x70, s8;
	s9 =	sand.u32 $0x7F00, s7;
	[tilespmem:s5+$0x0] =	vst v3;
	v3 =	vadd.s32 $0x10, v4  }
0x58: {  	s8 =	sor.u32 s8, s9;
	[tilespmem:s6+$0x0] =	vst v3  }
0x59: {  	s17 =	simm.s32 $0x20;
	v3 =	vld [tilespmem:s8+$0x0]  }
.LBB2_6:
0x5a: {  	p1 =	sne.s32 s17, $0x27F0  }
0x5b: {  	v4 =	vld [tilespmem:s8+$0x80];
	_ =	sdelay $0x2  }
0x5c: {  	vm0 =	vgt.s32 v3, $0x9FF;
	vm1 =	vgt.s32 v3, $0x1DFF  }
0x5d: {  	s2 =	sadd.s32 $0x10, s2;
	v5 =	vsel vm0, $0x1, v2;
	vm0 =	vgt.s32 v3, $0x13FF;
	v6 =	vsel vm1, $0x1, v2  }
0x5e: {  	v7 =	vld [tilespmem:s2+$0x0];
	v8 =	vsel vm0, $0x1, v2;
	vm0 =	vgt.s32 v4, $0x9FF;
	vm1 =	vgt.s32 v4, $0x13FF  }
0x5f: {  	v9 =	vsel vm0, $0x1, v2;
	v10 =	vsel vm1, $0x1, v2;
	vm0 =	vgt.s32 v4, $0x1DFF  }
0x60: {  	v5 =	vadd.s32 v8, v5;
	v8 =	vadd.s32 v10, v9;
	v9 =	vsel vm0, $0x1, v2  }
0x61: {  	v5 =	vadd.s32 v6, v5;
	v6 =	vadd.s32 v9, v8  }
0x62: {  	v8 =	vmul.u32 $0x1FFF600, v5;
	v5 =	vshll.u32 v5, $0x5;
	v9 =	vmul.u32 $0x1FFF600, v6  }
0x63: {  	v5 =	vadd.s32 v7, v5  }
0x64: {  	v6 =	vshll.u32 v6, $0x5;
	v3 =	vadd.s32 v3, v8;
	v4 =	vadd.s32 v4, v9  }
.Ltmp2:
0x65: {  	v6 =	vadd.s32 v6, v7;
	v3 =	vshll.u32 v3, $0x7;
	v4 =	vshll.u32 v4, $0x7;
	(pc) =	sbr.rel @p1 .LBB2_6-.Ltmp2, $4  }
0x66: {  	s7 =	sadd.s32 $0x20, s7;
	s5 =	sadd.s32 $0x10, s5;
	v3 =	vadd.s32 v3, v5;
	v4 =	vadd.s32 v4, v6  }
0x67: {  	s6 =	sadd.s32 $0x10, s6;
	s8 =	sand.u32 $0x70, s17;
	s9 =	sand.u32 $0x7F00, s7;
	[tilespmem:s5+$0x0] =	vst v3;
	v3 =	vadd.s32 $0x10, v4  }
0x68: {  	s8 =	sor.u32 s8, s9;
	[tilespmem:s6+$0x0] =	vst v3  }
0x69: {  	s17 =	sadd.s32 $0x10, s17;
	v3 =	vld [tilespmem:s8+$0x0]  }
0x6a: {  	_ = 	snop  }
0x6b: {  	v4 =	vld [tilespmem:s8+$0x80];
	_ =	sdelay $0x2  }
0x6c: {  	vm0 =	vgt.s32 v3, $0x9FF;
	vm1 =	vgt.s32 v3, $0x1DFF  }
0x6d: {  	s2 =	sadd.s32 $0x10, s2;
	vm12 =	vgt.s32 v3, $0x13FF;
	v5 =	vsel vm0, $0x1, v2;
	v6 =	vsel vm1, $0x1, v2  }
0x6e: {  	v7 =	vld [tilespmem:s2+$0x0];
	v8 =	vsel vm12, $0x1, v2;
	vm13 =	vgt.s32 v4, $0x9FF;
	vm14 =	vgt.s32 v4, $0x13FF  }
0x6f: {  	vm15 =	vgt.s32 v4, $0x1DFF;
	v9 =	vsel vm13, $0x1, v2;
	v10 =	vsel vm14, $0x1, v2  }
0x70: {  	v5 =	vadd.s32 v8, v5;
	v61 =	vsel vm15, $0x1, v2;
	v60 =	vadd.s32 v10, v9  }
0x71: {  	v5 =	vadd.s32 v6, v5;
	v62 =	vadd.s32 v61, v60  }
0x72: {  	v63 =	vmul.u32 $0x1FFF600, v5;
	v5 =	vshll.u32 v5, $0x5;
	v9 =	vmul.u32 $0x1FFF600, v62  }
0x73: {  	v5 =	vadd.s32 v7, v5  }
0x74: {  	v6 =	vshll.u32 v62, $0x5;
	v3 =	vadd.s32 v3, v63;
	v4 =	vadd.s32 v4, v9  }
0x75: {  	v6 =	vadd.s32 v6, v7;
	v3 =	vshll.u32 v3, $0x7;
	v4 =	vshll.u32 v4, $0x7  }
0x76: {  	s18 =	sadd.s32 $0x10, s5;
	v3 =	vadd.s32 v3, v5;
	v4 =	vadd.s32 v4, v6  }
0x77: {  	s5 =	sadd.s32 $0x10, s6;
	[tilespmem:s18+$0x0] =	vst v3;
	v3 =	vadd.s32 $0x10, v4  }
0x78: {  	[tilespmem:s5+$0x0] =	vst v3  }
0x79: {  	_ =	swait.ge [sflag:s21], $0x2800  }
0x7a: {  	[sflag:s21] =	ssyncset.done $0x0  }
0x7b: {  	[sflag:s21] =	ssyncadd.s32 $0xFFFFD800  }
0x7c: {  	_ =	swait.ge [sflag:s21], $0x2800  }
0x7d: {  	[sflag:s21] =	ssyncset.done $0x0  }
0x7e: {  	[sflag:s21] =	ssyncadd.s32 $0xFFFFD800  }
0x7f: {  	_ =	swait.ge [sflag:s22], $0x2780  }
0x80: {  	[sflag:s22] =	ssyncset.done $0x0  }
0x81: {  	[sflag:s22] =	ssyncadd.s32 $0xFFFFD880  }
0x82: {  	_ =	swait.ge [sflag:s22], $0x80  }
0x83: {  	[sflag:s22] =	ssyncset.done $0x0  }
0x84: {  	[sflag:s22] =	ssyncadd.s32 $0xFFFFFF80  }
0x85: {  	s28 =	simm.s32 $0xC800;
	s6 =	simm.s32 $0x7800;
	v3 =	vld [tilespmem:$0x18F80];
	[bflag:$0x0] =	sbarrier.arrive $0xFFFF  }
0x86: {  	[tilespmem:s28], [sflag:$0x4] =	stream.indirect.gather [spmem:s3], $0x1, s6, s23, $0xb8;
	[tilespmem:$0x1E000] =	vst v63  }
0x87: {  	s29 =	simm.s32 $0xF000;
	s7 =	simm.s32 $0xA000  }
0x88: {  	[tilespmem:s29], [sflag:$0x4] =	stream.indirect.gather [spmem:s3], $0x1, s7, s23, $0xb8;
	[tilespmem:$0x1E000] =	vst v63  }
0x89: {  	s8 =	simm.s32 $0x7880;
	s9 =	simm.s32 $0xC880  }
0x8a: {  	[tilespmem:s9], [sflag:$0x4] =	stream.indirect.gather [spmem:s3], $0x1, s8, s23, $0xb8;
	[tilespmem:$0x1E000] =	vst v63  }
0x8b: {  	s10 =	simm.s32 $0xA080;
	s11 =	simm.s32 $0xF080  }
0x8c: {  	[tilespmem:s11], [sflag:$0x4] =	stream.indirect.gather [spmem:s3], $0x1, s10, s23, $0xb8;
	[tilespmem:$0x1E000] =	vst v63  }
0x8d: {  	s12 =	simm.s32 $0x7900;
	s13 =	simm.s32 $0xC900  }
0x8e: {  	[tilespmem:s13], [sflag:$0x4] =	stream.indirect.gather [spmem:s3], $0x1, s12, s23, $0xb8;
	[tilespmem:$0x1E000] =	vst v63  }
0x8f: {  	s17 =	simm.s32 $0xA100;
	s18 =	simm.s32 $0xF100  }
0x90: {  	[tilespmem:s18], [sflag:$0x4] =	stream.indirect.gather [spmem:s3], $0x1, s17, s23, $0xb8;
	[tilespmem:$0x1E000] =	vst v63  }
0x91: {  	s6 =	simm.s32 $0x7980;
	s7 =	simm.s32 $0xC980  }
0x92: {  	[tilespmem:s7], [sflag:$0x4] =	stream.indirect.gather [spmem:s3], $0x1, s6, s23, $0xb8;
	[tilespmem:$0x1E000] =	vst v63  }
0x93: {  	s8 =	simm.s32 $0xA180;
	s9 =	simm.s32 $0xF180  }
0x94: {  	[tilespmem:s9], [sflag:$0x4] =	stream.indirect.gather [spmem:s3], $0x1, s8, s23, $0xb8;
	[tilespmem:$0x1E000] =	vst v63  }
0x95: {  	s10 =	simm.s32 $0x7A00;
	s11 =	simm.s32 $0xCA00  }
0x96: {  	[tilespmem:s11], [sflag:$0x4] =	stream.indirect.gather [spmem:s3], $0x1, s10, s23, $0xb8;
	[tilespmem:$0x1E000] =	vst v63  }
0x97: {  	s12 =	simm.s32 $0xA200;
	s13 =	simm.s32 $0xF200  }
0x98: {  	[tilespmem:s13], [sflag:$0x4] =	stream.indirect.gather [spmem:s3], $0x1, s12, s23, $0xb8;
	[tilespmem:$0x1E000] =	vst v63  }
0x99: {  	s17 =	simm.s32 $0x7A80;
	s18 =	simm.s32 $0xCA80  }
0x9a: {  	[tilespmem:s18], [sflag:$0x4] =	stream.indirect.gather [spmem:s3], $0x1, s17, s23, $0xb8;
	[tilespmem:$0x1E000] =	vst v63  }
0x9b: {  	s6 =	simm.s32 $0xA280;
	s7 =	simm.s32 $0xF280  }
0x9c: {  	[tilespmem:s7], [sflag:$0x4] =	stream.indirect.gather [spmem:s3], $0x1, s6, s23, $0xb8;
	[tilespmem:$0x1E000] =	vst v63  }
0x9d: {  	s8 =	simm.s32 $0x7B00;
	s9 =	simm.s32 $0xCB00  }
0x9e: {  	[tilespmem:s9], [sflag:$0x4] =	stream.indirect.gather [spmem:s3], $0x1, s8, s23, $0xb8;
	[tilespmem:$0x1E000] =	vst v63  }
0x9f: {  	s10 =	simm.s32 $0xA300;
	s11 =	simm.s32 $0xF300  }
0xa0: {  	[tilespmem:s11], [sflag:$0x4] =	stream.indirect.gather [spmem:s3], $0x1, s10, s23, $0xb8;
	[tilespmem:$0x1E000] =	vst v63  }
0xa1: {  	s31 =	simm.s32 $0x800;
	s12 =	simm.s32 $0x7B80;
	s13 =	simm.s32 $0xCB80  }
0xa2: {  	[tilespmem:s13], [sflag:$0x4] =	stream.indirect.gather [spmem:s3], $0x1, s12, s23, $0xb8;
	[tilespmem:$0x1E000] =	vst v63  }
0xa3: {  	s2 =	simm.s32 $0xF400;
	s17 =	simm.s32 $0xA380;
	s18 =	simm.s32 $0xF380  }
0xa4: {  	[tilespmem:s18], [sflag:$0x4] =	stream.indirect.gather [spmem:s3], $0x1, s17, s23, $0xb8;
	[tilespmem:$0x1E000] =	vst v63  }
0xa5: {  	s5 =	simm.s32 $0xCC00;
	s10 =	simm.s32 $0x0;
	s17 =	simm.s32 $0x0  }
.LBB2_8:
0xa6: {  	s7 =	sshll.u32 s17, $0xB  }
0xa7: {  	s6 =	sadd.s32 $0xCC00, s7;
	s8 =	sadd.s32 $0x7C00, s7  }
0xa8: {  	[tilespmem:s6], [sflag:$0x5] =	stream.indirect.gather [spmem:s3], $0x1, s8, s23, $0xb8;
	[tilespmem:$0x1E000] =	vst v63  }
0xa9: {  	s13 =	sadd.s32 $0xF400, s7;
	s18 =	sadd.s32 $0xA400, s7  }
0xaa: {  	[tilespmem:s13], [sflag:$0x5] =	stream.indirect.gather [spmem:s3], $0x1, s18, s23, $0xb8;
	[tilespmem:$0x1E000] =	vst v63  }
0xab: {  	s9 =	sadd.s32 $0x7C80, s7;
	s8 =	sadd.s32 $0xCC80, s7  }
0xac: {  	[tilespmem:s8], [sflag:$0x5] =	stream.indirect.gather [spmem:s3], $0x1, s9, s23, $0xb8;
	[tilespmem:$0x1E000] =	vst v63  }
0xad: {  	s11 =	sadd.s32 $0xF480, s7;
	s12 =	sadd.s32 $0xA480, s7  }
0xae: {  	[tilespmem:s11], [sflag:$0x5] =	stream.indirect.gather [spmem:s3], $0x1, s12, s23, $0xb8;
	[tilespmem:$0x1E000] =	vst v63  }
0xaf: {  	s13 =	sadd.s32 $0xCD00, s7;
	s18 =	sadd.s32 $0x7D00, s7  }
0xb0: {  	[tilespmem:s13], [sflag:$0x5] =	stream.indirect.gather [spmem:s3], $0x1, s18, s23, $0xb8;
	[tilespmem:$0x1E000] =	vst v63  }
0xb1: {  	s8 =	sadd.s32 $0xF500, s7;
	s9 =	sadd.s32 $0xA500, s7  }
0xb2: {  	[tilespmem:s8], [sflag:$0x5] =	stream.indirect.gather [spmem:s3], $0x1, s9, s23, $0xb8;
	[tilespmem:$0x1E000] =	vst v63  }
0xb3: {  	s11 =	sadd.s32 $0xCD80, s7;
	s12 =	sadd.s32 $0x7D80, s7  }
0xb4: {  	[tilespmem:s11], [sflag:$0x5] =	stream.indirect.gather [spmem:s3], $0x1, s12, s23, $0xb8;
	[tilespmem:$0x1E000] =	vst v63  }
0xb5: {  	s13 =	sadd.s32 $0xF580, s7;
	s18 =	sadd.s32 $0xA580, s7  }
0xb6: {  	[tilespmem:s13], [sflag:$0x5] =	stream.indirect.gather [spmem:s3], $0x1, s18, s23, $0xb8;
	[tilespmem:$0x1E000] =	vst v63  }
0xb7: {  	s8 =	sadd.s32 $0xCE00, s7;
	s9 =	sadd.s32 $0x7E00, s7  }
0xb8: {  	[tilespmem:s8], [sflag:$0x5] =	stream.indirect.gather [spmem:s3], $0x1, s9, s23, $0xb8;
	[tilespmem:$0x1E000] =	vst v63  }
0xb9: {  	s11 =	sadd.s32 $0xF600, s7;
	s12 =	sadd.s32 $0xA600, s7  }
0xba: {  	[tilespmem:s11], [sflag:$0x5] =	stream.indirect.gather [spmem:s3], $0x1, s12, s23, $0xb8;
	[tilespmem:$0x1E000] =	vst v63  }
0xbb: {  	s13 =	sadd.s32 $0xCE80, s7;
	s18 =	sadd.s32 $0x7E80, s7  }
0xbc: {  	[tilespmem:s13], [sflag:$0x5] =	stream.indirect.gather [spmem:s3], $0x1, s18, s23, $0xb8;
	[tilespmem:$0x1E000] =	vst v63  }
0xbd: {  	s8 =	sadd.s32 $0xF680, s7;
	s9 =	sadd.s32 $0xA680, s7  }
0xbe: {  	[tilespmem:s8], [sflag:$0x5] =	stream.indirect.gather [spmem:s3], $0x1, s9, s23, $0xb8;
	[tilespmem:$0x1E000] =	vst v63  }
0xbf: {  	s11 =	sadd.s32 $0xCF00, s7;
	s12 =	sadd.s32 $0x7F00, s7  }
0xc0: {  	[tilespmem:s11], [sflag:$0x5] =	stream.indirect.gather [spmem:s3], $0x1, s12, s23, $0xb8;
	[tilespmem:$0x1E000] =	vst v63  }
0xc1: {  	s13 =	sadd.s32 $0xF700, s7;
	s18 =	sadd.s32 $0xA700, s7  }
0xc2: {  	[tilespmem:s13], [sflag:$0x5] =	stream.indirect.gather [spmem:s3], $0x1, s18, s23, $0xb8;
	[tilespmem:$0x1E000] =	vst v63  }
0xc3: {  	s8 =	sadd.s32 $0xCF80, s7;
	s9 =	sadd.s32 $0x7F80, s7  }
0xc4: {  	[tilespmem:s8], [sflag:$0x5] =	stream.indirect.gather [spmem:s3], $0x1, s9, s23, $0xb8;
	[tilespmem:$0x1E000] =	vst v63  }
0xc5: {  	s11 =	sadd.s32 $0xF780, s7;
	s12 =	sadd.s32 $0xA780, s7  }
0xc6: {  	[tilespmem:s11], [sflag:$0x5] =	stream.indirect.gather [spmem:s3], $0x1, s12, s23, $0xb8;
	[tilespmem:$0x1E000] =	vst v63  }
0xc7: {  	_ =	swait.ge [sflag:s0], $0x80  }
0xc8: {  	[sflag:s0] =	ssyncset.done $0x0  }
0xc9: {  	[sflag:s0] =	ssyncadd.s32 $0xFFFFFF80  }
0xca: {  	_ =	swait.ge [sflag:s0], $0x80  }
0xcb: {  	[sflag:s0] =	ssyncset.done $0x0  }
0xcc: {  	[sflag:s0] =	ssyncadd.s32 $0xFFFFFF80  }
0xcd: {  	_ =	swait.ge [sflag:s0], $0x80  }
0xce: {  	[sflag:s0] =	ssyncset.done $0x0  }
0xcf: {  	[sflag:s0] =	ssyncadd.s32 $0xFFFFFF80  }
0xd0: {  	_ =	swait.ge [sflag:s0], $0x80  }
0xd1: {  	[sflag:s0] =	ssyncset.done $0x0  }
0xd2: {  	[sflag:s0] =	ssyncadd.s32 $0xFFFFFF80  }
0xd3: {  	_ =	swait.ge [sflag:s0], $0x80  }
0xd4: {  	[sflag:s0] =	ssyncset.done $0x0  }
0xd5: {  	[sflag:s0] =	ssyncadd.s32 $0xFFFFFF80  }
0xd6: {  	_ =	swait.ge [sflag:s0], $0x80  }
0xd7: {  	[sflag:s0] =	ssyncset.done $0x0  }
0xd8: {  	[sflag:s0] =	ssyncadd.s32 $0xFFFFFF80  }
0xd9: {  	_ =	swait.ge [sflag:s0], $0x80  }
0xda: {  	[sflag:s0] =	ssyncset.done $0x0  }
0xdb: {  	[sflag:s0] =	ssyncadd.s32 $0xFFFFFF80  }
0xdc: {  	_ =	swait.ge [sflag:s0], $0x80  }
0xdd: {  	[sflag:s0] =	ssyncset.done $0x0  }
0xde: {  	[sflag:s0] =	ssyncadd.s32 $0xFFFFFF80  }
0xdf: {  	_ =	swait.ge [sflag:s0], $0x80  }
0xe0: {  	[sflag:s0] =	ssyncset.done $0x0  }
0xe1: {  	[sflag:s0] =	ssyncadd.s32 $0xFFFFFF80  }
0xe2: {  	_ =	swait.ge [sflag:s0], $0x80  }
0xe3: {  	[sflag:s0] =	ssyncset.done $0x0  }
0xe4: {  	[sflag:s0] =	ssyncadd.s32 $0xFFFFFF80  }
0xe5: {  	_ =	swait.ge [sflag:s0], $0x80  }
0xe6: {  	[sflag:s0] =	ssyncset.done $0x0  }
0xe7: {  	[sflag:s0] =	ssyncadd.s32 $0xFFFFFF80  }
0xe8: {  	_ =	swait.ge [sflag:s0], $0x80  }
0xe9: {  	[sflag:s0] =	ssyncset.done $0x0  }
0xea: {  	[sflag:s0] =	ssyncadd.s32 $0xFFFFFF80  }
0xeb: {  	_ =	swait.ge [sflag:s0], $0x80  }
0xec: {  	[sflag:s0] =	ssyncset.done $0x0  }
0xed: {  	[sflag:s0] =	ssyncadd.s32 $0xFFFFFF80  }
0xee: {  	_ =	swait.ge [sflag:s0], $0x80  }
0xef: {  	[sflag:s0] =	ssyncset.done $0x0  }
0xf0: {  	[sflag:s0] =	ssyncadd.s32 $0xFFFFFF80  }
0xf1: {  	_ =	swait.ge [sflag:s0], $0x80  }
0xf2: {  	[sflag:s0] =	ssyncset.done $0x0  }
0xf3: {  	[sflag:s0] =	ssyncadd.s32 $0xFFFFFF80  }
0xf4: {  	_ =	swait.ge [sflag:s0], $0x80  }
0xf5: {  	[sflag:s0] =	ssyncset.done $0x0  }
0xf6: {  	[sflag:s0] =	ssyncadd.s32 $0xFFFFFF80  }
0xf7: {  	v4 =	vld [tilespmem:s29+$0x0]  }
0xf8: {  	v5 =	vld [tilespmem:s28+$0x0];
	_ =	sdelay $0x4  }
0xf9: {  	v4 =	vadd.f32 v4, v5;
	_ =	sdelay $0x1  }
0xfa: {  	v5 =	vmul.f32 $2.000000030e-01, v4;
	_ =	sdelay $0x1  }
0xfb: {  	s13 =	sand.u32 $0x70, s30;
	s18 =	sand.u32 $0x7700, s10;
	v4 =	vmax.f32 v4, v5  }
0xfc: {  	s6 =	sor.u32 s13, s18;
	v4 =	vsub.f32 v4, v3  }
0xfd: {  	v5 =	vld [tilespmem:s6+$0x80]  }
0xfe: {  	v4 =	vmul.f32 $1.442695020e+00, v4;
	_ =	sdelay $0x1  }
0xff: {  	(erf) = vpow2.f32 v4;
	_ =	sdelay $0x2  }
0x100: {  	v4 =	vld [tilespmem:s6+$0x0];
	_ =	sdelay $0x1  }
0x101: {  	v5 =	vld.idx.msk [tilespmem:v5+s19+$0x0], $0xffff;
	_ =	sdelay $0x3  }
0x102: {  	v6 =	vpop (erf)  }
0x103: {  	v5 =	vmul.f32 v6, v5  }
0x104: {  	[tilespmem:v4+s1+$0x0] =	vst.idx.add.f32.msk $0xffff, v6  }
0x105: {  	s18 =	sadd.s32 $0x10, s29;
	[tilespmem:v4+s20+$0x0] =	vst.idx.add.f32.msk $0xffff, v5  }
0x106: {  	s9 =	sadd.s32 $0x10, s28;
	v4 =	vld [tilespmem:s18+$0x0]  }
0x107: {  	s8 =	simm.s32 $0x10;
	s11 =	simm.s32 $0x20;
	s6 =	smov.u32 s10;
	v5 =	vld [tilespmem:s9+$0x0]  }
.LBB2_9:
0x108: {  	p1 =	sne.s32 s11, $0x3F0;
	_ =	sdelay $0x3  }
0x109: {  	v4 =	vadd.f32 v4, v5;
	_ =	sdelay $0x1  }
0x10a: {  	s6 =	sadd.s32 $0x20, s6;
	v5 =	vmul.f32 $2.000000030e-01, v4  }
0x10b: {  	s12 =	sand.u32 $0x70, s8;
	s8 =	smov.u32 s11;
	s13 =	sand.u32 $0x7700, s6  }
0x10c: {  	s12 =	sor.u32 s12, s13;
	v4 =	vmax.f32 v4, v5  }
0x10d: {  	v4 =	vsub.f32 v4, v3;
	v5 =	vld [tilespmem:s12+$0x80];
	_ =	sdelay $0x1  }
0x10e: {  	v4 =	vmul.f32 $1.442695020e+00, v4;
	_ =	sdelay $0x1  }
0x10f: {  	(erf) = vpow2.f32 v4;
	_ =	sdelay $0x2  }
0x110: {  	v4 =	vld [tilespmem:s12+$0x0]  }
0x111: {  	v5 =	vld.idx.msk [tilespmem:v5+s19+$0x0], $0xffff;
	_ =	sdelay $0x4  }
0x112: {  	v6 =	vpop (erf)  }
.Ltmp3:
0x113: {  	v5 =	vmul.f32 v6, v5;
	(pc) =	sbr.rel @p1 .LBB2_9-.Ltmp3, $4  }
0x114: {  	[tilespmem:v4+s1+$0x0] =	vst.idx.add.f32.msk $0xffff, v6  }
0x115: {  	s18 =	sadd.s32 $0x10, s18;
	[tilespmem:v4+s20+$0x0] =	vst.idx.add.f32.msk $0xffff, v5  }
0x116: {  	s9 =	sadd.s32 $0x10, s9;
	v4 =	vld [tilespmem:s18+$0x0]  }
0x117: {  	s11 =	sadd.s32 $0x10, s11;
	v5 =	vld [tilespmem:s9+$0x0]  }
0x118: {  	_ =	sdelay $0x3  }
0x119: {  	v4 =	vadd.f32 v4, v5;
	_ =	sdelay $0x1  }
0x11a: {  	v5 =	vmul.f32 $2.000000030e-01, v4  }
0x11b: {  	s6 =	sadd.s32 $0x20, s6  }
0x11c: {  	s8 =	sand.u32 $0x70, s8;
	s6 =	sand.u32 $0x7700, s6;
	v4 =	vmax.f32 v4, v5  }
0x11d: {  	s6 =	sor.u32 s8, s6;
	v4 =	vsub.f32 v4, v3  }
0x11e: {  	v5 =	vld [tilespmem:s6+$0x80]  }
0x11f: {  	v4 =	vmul.f32 $1.442695020e+00, v4;
	_ =	sdelay $0x1  }
0x120: {  	(erf) = vpow2.f32 v4;
	_ =	sdelay $0x2  }
0x121: {  	v4 =	vld [tilespmem:s6+$0x0];
	_ =	sdelay $0x1  }
0x122: {  	v5 =	vld.idx.msk [tilespmem:v5+s19+$0x0], $0xffff;
	_ =	sdelay $0x3  }
0x123: {  	v6 =	vpop (erf)  }
0x124: {  	v5 =	vmul.f32 v6, v5  }
0x125: {  	p1 =	seq.s32 s17, $0x4;
	[tilespmem:v4+s1+$0x0] =	vst.idx.add.f32.msk $0xffff, v6  }
0x126: {  	s9 =	simm.s32 @!p1 $0x80;
	s8 =	sadd.s32 @!p1 $0x8000, s7;
	s6 =	sadd.s32 @!p1 $0xD000, s7;
	[tilespmem:v4+s20+$0x0] =	vst.idx.add.f32.msk $0xffff, v5  }
0x127: {  	[tilespmem:s6], [sflag:$0x4] =	stream.indirect.gather @!p1 [spmem:s3], $0x1, s8, s9, $0xb8;
	[tilespmem:$0x1E000] =	vst v63  }
0x128: {  	s6 =	sadd.s32 @!p1 $0xF800, s7;
	s8 =	sadd.s32 @!p1 $0xA800, s7  }
0x129: {  	[tilespmem:s6], [sflag:$0x4] =	stream.indirect.gather @!p1 [spmem:s3], $0x1, s8, s9, $0xb8;
	[tilespmem:$0x1E000] =	vst v63  }
0x12a: {  	s6 =	sadd.s32 @!p1 $0xD080, s7;
	s8 =	sadd.s32 @!p1 $0x8080, s7  }
0x12b: {  	[tilespmem:s6], [sflag:$0x4] =	stream.indirect.gather @!p1 [spmem:s3], $0x1, s8, s9, $0xb8;
	[tilespmem:$0x1E000] =	vst v63  }
0x12c: {  	s6 =	sadd.s32 @!p1 $0xF880, s7;
	s8 =	sadd.s32 @!p1 $0xA880, s7  }
0x12d: {  	[tilespmem:s6], [sflag:$0x4] =	stream.indirect.gather @!p1 [spmem:s3], $0x1, s8, s9, $0xb8;
	[tilespmem:$0x1E000] =	vst v63  }
0x12e: {  	s6 =	sadd.s32 @!p1 $0xD100, s7;
	s8 =	sadd.s32 @!p1 $0x8100, s7  }
0x12f: {  	[tilespmem:s6], [sflag:$0x4] =	stream.indirect.gather @!p1 [spmem:s3], $0x1, s8, s9, $0xb8;
	[tilespmem:$0x1E000] =	vst v63  }
0x130: {  	s6 =	sadd.s32 @!p1 $0xF900, s7;
	s8 =	sadd.s32 @!p1 $0xA900, s7  }
0x131: {  	[tilespmem:s6], [sflag:$0x4] =	stream.indirect.gather @!p1 [spmem:s3], $0x1, s8, s9, $0xb8;
	[tilespmem:$0x1E000] =	vst v63  }
0x132: {  	s6 =	sadd.s32 @!p1 $0xD180, s7;
	s8 =	sadd.s32 @!p1 $0x8180, s7  }
0x133: {  	[tilespmem:s6], [sflag:$0x4] =	stream.indirect.gather @!p1 [spmem:s3], $0x1, s8, s9, $0xb8;
	[tilespmem:$0x1E000] =	vst v63  }
0x134: {  	s6 =	sadd.s32 @!p1 $0xF980, s7;
	s8 =	sadd.s32 @!p1 $0xA980, s7  }
0x135: {  	[tilespmem:s6], [sflag:$0x4] =	stream.indirect.gather @!p1 [spmem:s3], $0x1, s8, s9, $0xb8;
	[tilespmem:$0x1E000] =	vst v63  }
0x136: {  	s6 =	sadd.s32 @!p1 $0xD200, s7;
	s8 =	sadd.s32 @!p1 $0x8200, s7  }
0x137: {  	[tilespmem:s6], [sflag:$0x4] =	stream.indirect.gather @!p1 [spmem:s3], $0x1, s8, s9, $0xb8;
	[tilespmem:$0x1E000] =	vst v63  }
0x138: {  	s6 =	sadd.s32 @!p1 $0xFA00, s7;
	s8 =	sadd.s32 @!p1 $0xAA00, s7  }
0x139: {  	[tilespmem:s6], [sflag:$0x4] =	stream.indirect.gather @!p1 [spmem:s3], $0x1, s8, s9, $0xb8;
	[tilespmem:$0x1E000] =	vst v63  }
0x13a: {  	s6 =	sadd.s32 @!p1 $0xD280, s7;
	s8 =	sadd.s32 @!p1 $0x8280, s7  }
0x13b: {  	[tilespmem:s6], [sflag:$0x4] =	stream.indirect.gather @!p1 [spmem:s3], $0x1, s8, s9, $0xb8;
	[tilespmem:$0x1E000] =	vst v63  }
0x13c: {  	s6 =	sadd.s32 @!p1 $0xFA80, s7;
	s8 =	sadd.s32 @!p1 $0xAA80, s7  }
0x13d: {  	[tilespmem:s6], [sflag:$0x4] =	stream.indirect.gather @!p1 [spmem:s3], $0x1, s8, s9, $0xb8;
	[tilespmem:$0x1E000] =	vst v63  }
0x13e: {  	s6 =	sadd.s32 @!p1 $0xD300, s7;
	s8 =	sadd.s32 @!p1 $0x8300, s7  }
0x13f: {  	[tilespmem:s6], [sflag:$0x4] =	stream.indirect.gather @!p1 [spmem:s3], $0x1, s8, s9, $0xb8;
	[tilespmem:$0x1E000] =	vst v63  }
0x140: {  	s6 =	sadd.s32 @!p1 $0xFB00, s7;
	s8 =	sadd.s32 @!p1 $0xAB00, s7  }
0x141: {  	[tilespmem:s6], [sflag:$0x4] =	stream.indirect.gather @!p1 [spmem:s3], $0x1, s8, s9, $0xb8;
	[tilespmem:$0x1E000] =	vst v63  }
0x142: {  	s6 =	sadd.s32 @!p1 $0xD380, s7;
	s8 =	sadd.s32 @!p1 $0x8380, s7  }
0x143: {  	[tilespmem:s6], [sflag:$0x4] =	stream.indirect.gather @!p1 [spmem:s3], $0x1, s8, s9, $0xb8;
	[tilespmem:$0x1E000] =	vst v63  }
0x144: {  	s6 =	sadd.s32 @!p1 $0xFB80, s7;
	s7 =	sadd.s32 @!p1 $0xAB80, s7  }
0x145: {  	[tilespmem:s6], [sflag:$0x4] =	stream.indirect.gather @!p1 [spmem:s3], $0x1, s7, s9, $0xb8;
	[tilespmem:$0x1E000] =	vst v63  }
0x146: {  	_ =	swait.ge [sflag:s24], $0x80  }
0x147: {  	[sflag:s24] =	ssyncset.done $0x0  }
0x148: {  	[sflag:s24] =	ssyncadd.s32 $0xFFFFFF80  }
0x149: {  	_ =	swait.ge [sflag:s24], $0x80  }
0x14a: {  	[sflag:s24] =	ssyncset.done $0x0  }
0x14b: {  	[sflag:s24] =	ssyncadd.s32 $0xFFFFFF80  }
0x14c: {  	_ =	swait.ge [sflag:s24], $0x80  }
0x14d: {  	[sflag:s24] =	ssyncset.done $0x0  }
0x14e: {  	[sflag:s24] =	ssyncadd.s32 $0xFFFFFF80  }
0x14f: {  	_ =	swait.ge [sflag:s24], $0x80  }
0x150: {  	[sflag:s24] =	ssyncset.done $0x0  }
0x151: {  	[sflag:s24] =	ssyncadd.s32 $0xFFFFFF80  }
0x152: {  	_ =	swait.ge [sflag:s24], $0x80  }
0x153: {  	[sflag:s24] =	ssyncset.done $0x0  }
0x154: {  	[sflag:s24] =	ssyncadd.s32 $0xFFFFFF80  }
0x155: {  	_ =	swait.ge [sflag:s24], $0x80  }
0x156: {  	[sflag:s24] =	ssyncset.done $0x0  }
0x157: {  	[sflag:s24] =	ssyncadd.s32 $0xFFFFFF80  }
0x158: {  	_ =	swait.ge [sflag:s24], $0x80  }
0x159: {  	[sflag:s24] =	ssyncset.done $0x0  }
0x15a: {  	[sflag:s24] =	ssyncadd.s32 $0xFFFFFF80  }
0x15b: {  	_ =	swait.ge [sflag:s24], $0x80  }
0x15c: {  	[sflag:s24] =	ssyncset.done $0x0  }
0x15d: {  	[sflag:s24] =	ssyncadd.s32 $0xFFFFFF80  }
0x15e: {  	_ =	swait.ge [sflag:s24], $0x80  }
0x15f: {  	[sflag:s24] =	ssyncset.done $0x0  }
0x160: {  	[sflag:s24] =	ssyncadd.s32 $0xFFFFFF80  }
0x161: {  	_ =	swait.ge [sflag:s24], $0x80  }
0x162: {  	[sflag:s24] =	ssyncset.done $0x0  }
0x163: {  	[sflag:s24] =	ssyncadd.s32 $0xFFFFFF80  }
0x164: {  	_ =	swait.ge [sflag:s24], $0x80  }
0x165: {  	[sflag:s24] =	ssyncset.done $0x0  }
0x166: {  	[sflag:s24] =	ssyncadd.s32 $0xFFFFFF80  }
0x167: {  	_ =	swait.ge [sflag:s24], $0x80  }
0x168: {  	[sflag:s24] =	ssyncset.done $0x0  }
0x169: {  	[sflag:s24] =	ssyncadd.s32 $0xFFFFFF80  }
0x16a: {  	_ =	swait.ge [sflag:s24], $0x80  }
0x16b: {  	[sflag:s24] =	ssyncset.done $0x0  }
0x16c: {  	[sflag:s24] =	ssyncadd.s32 $0xFFFFFF80  }
0x16d: {  	_ =	swait.ge [sflag:s24], $0x80  }
0x16e: {  	[sflag:s24] =	ssyncset.done $0x0  }
0x16f: {  	[sflag:s24] =	ssyncadd.s32 $0xFFFFFF80  }
0x170: {  	_ =	swait.ge [sflag:s24], $0x80  }
0x171: {  	[sflag:s24] =	ssyncset.done $0x0  }
0x172: {  	[sflag:s24] =	ssyncadd.s32 $0xFFFFFF80  }
0x173: {  	_ =	swait.ge [sflag:s24], $0x80  }
0x174: {  	[sflag:s24] =	ssyncset.done $0x0  }
0x175: {  	[sflag:s24] =	ssyncadd.s32 $0xFFFFFF80  }
0x176: {  	v4 =	vld [tilespmem:s2+$0x0]  }
0x177: {  	v5 =	vld [tilespmem:s5+$0x0];
	_ =	sdelay $0x4  }
0x178: {  	v4 =	vadd.f32 v4, v5;
	_ =	sdelay $0x1  }
0x179: {  	v5 =	vmul.f32 $2.000000030e-01, v4  }
0x17a: {  	s13 =	simm.s32 $0x0  }
0x17b: {  	s18 =	sand.u32 $0x7FFFFF00, s31;
	s6 =	sand.u32 $0x70, s13;
	v4 =	vmax.f32 v4, v5  }
0x17c: {  	s6 =	sor.u32 s6, s18;
	v4 =	vsub.f32 v4, v3  }
0x17d: {  	v5 =	vld [tilespmem:s6+$0x80]  }
0x17e: {  	v4 =	vmul.f32 $1.442695020e+00, v4;
	_ =	sdelay $0x1  }
0x17f: {  	(erf) = vpow2.f32 v4;
	_ =	sdelay $0x2  }
0x180: {  	v4 =	vld [tilespmem:s6+$0x0];
	_ =	sdelay $0x1  }
0x181: {  	v5 =	vld.idx.msk [tilespmem:v5+s19+$0x0], $0xffff;
	_ =	sdelay $0x3  }
0x182: {  	v6 =	vpop (erf)  }
0x183: {  	v5 =	vmul.f32 v6, v5  }
0x184: {  	[tilespmem:v4+s1+$0x0] =	vst.idx.add.f32.msk $0xffff, v6  }
0x185: {  	s7 =	sadd.s32 $0x10, s2;
	[tilespmem:v4+s20+$0x0] =	vst.idx.add.f32.msk $0xffff, v5  }
0x186: {  	s9 =	sadd.s32 $0x10, s5;
	v4 =	vld [tilespmem:s7+$0x0]  }
0x187: {  	s11 =	simm.s32 $0x20;
	s8 =	simm.s32 $0x10;
	s6 =	smov.u32 s31;
	v5 =	vld [tilespmem:s9+$0x0]  }
.LBB2_11:
0x188: {  	p1 =	sne.s32 s11, $0x3F0;
	_ =	sdelay $0x3  }
0x189: {  	v4 =	vadd.f32 v4, v5;
	_ =	sdelay $0x1  }
0x18a: {  	s6 =	sadd.s32 $0x20, s6;
	v5 =	vmul.f32 $2.000000030e-01, v4  }
0x18b: {  	s12 =	sand.u32 $0x70, s8;
	s8 =	smov.u32 s11;
	s13 =	sand.u32 $0x7FFFFF00, s6  }
0x18c: {  	s12 =	sor.u32 s12, s13;
	v4 =	vmax.f32 v4, v5  }
0x18d: {  	v4 =	vsub.f32 v4, v3;
	v5 =	vld [tilespmem:s12+$0x80];
	_ =	sdelay $0x1  }
0x18e: {  	v4 =	vmul.f32 $1.442695020e+00, v4;
	_ =	sdelay $0x1  }
0x18f: {  	(erf) = vpow2.f32 v4;
	_ =	sdelay $0x2  }
0x190: {  	v4 =	vld [tilespmem:s12+$0x0]  }
0x191: {  	v5 =	vld.idx.msk [tilespmem:v5+s19+$0x0], $0xffff;
	_ =	sdelay $0x4  }
0x192: {  	v6 =	vpop (erf)  }
.Ltmp4:
0x193: {  	v5 =	vmul.f32 v6, v5;
	(pc) =	sbr.rel @p1 .LBB2_11-.Ltmp4, $4  }
0x194: {  	[tilespmem:v4+s1+$0x0] =	vst.idx.add.f32.msk $0xffff, v6  }
0x195: {  	s7 =	sadd.s32 $0x10, s7;
	[tilespmem:v4+s20+$0x0] =	vst.idx.add.f32.msk $0xffff, v5  }
0x196: {  	s9 =	sadd.s32 $0x10, s9;
	v4 =	vld [tilespmem:s7+$0x0]  }
0x197: {  	s11 =	sadd.s32 $0x10, s11;
	v5 =	vld [tilespmem:s9+$0x0]  }
0x198: {  	_ =	sdelay $0x3  }
0x199: {  	v4 =	vadd.f32 v4, v5;
	_ =	sdelay $0x1  }
0x19a: {  	v5 =	vmul.f32 $2.000000030e-01, v4  }
0x19b: {  	s6 =	sadd.s32 $0x20, s6  }
0x19c: {  	s7 =	sand.u32 $0x70, s8;
	s6 =	sand.u32 $0x7FFFFF00, s6;
	v4 =	vmax.f32 v4, v5  }
0x19d: {  	s6 =	sor.u32 s7, s6;
	v4 =	vsub.f32 v4, v3  }
0x19e: {  	v5 =	vld [tilespmem:s6+$0x80]  }
0x19f: {  	v4 =	vmul.f32 $1.442695020e+00, v4;
	_ =	sdelay $0x1  }
0x1a0: {  	(erf) = vpow2.f32 v4;
	_ =	sdelay $0x2  }
0x1a1: {  	v4 =	vld [tilespmem:s6+$0x0];
	_ =	sdelay $0x1  }
0x1a2: {  	v5 =	vld.idx.msk [tilespmem:v5+s19+$0x0], $0xffff  }
0x1a3: {  	s17 =	sadd.s32 $0x1, s17  }
0x1a4: {  	p1 =	sne.s32 s17, $0x5  }
.Ltmp5:
0x1a5: {  	_ = 	snop;
	(pc) =	sbr.rel @p1 .LBB2_8-.Ltmp5, $4  }
0x1a6: {  	v6 =	vpop (erf)  }
0x1a7: {  	v5 =	vmul.f32 v6, v5  }
0x1a8: {  	s10 =	sadd.s32 $0x1000, s10;
	s29 =	sadd.s32 $0x800, s29;
	s28 =	sadd.s32 $0x800, s28;
	[tilespmem:v4+s1+$0x0] =	vst.idx.add.f32.msk $0xffff, v6  }
0x1a9: {  	s31 =	sadd.s32 $0x1000, s31;
	s2 =	sadd.s32 $0x800, s2;
	s5 =	sadd.s32 $0x800, s5;
	[tilespmem:v4+s20+$0x0] =	vst.idx.add.f32.msk $0xffff, v5  }
0x1aa: {  	[hbm4b:s14+s4] =	stream.linear.scatter [tilespmem:s1], [sflag:$0x6], $0x2800, $0x38;
	[tilespmem:$0x1E000] =	vst v63  }
0x1ab: {  	s26 =	sadd.s32 $0x1, s26;
	_ =	swait.ge [sflag:s25], $0x2800  }
0x1ac: {  	p1 =	sne.s32 s26, s16;
	[sflag:s25] =	ssyncset.done $0x0  }
.Ltmp6:
0x1ad: {  	[sflag:s25] =	ssyncadd.s32 $0xFFFFD800;
	(pc) =	sbr.rel @p1 .LBB2_1-.Ltmp6, $4  }
0x1ae: {  	[hbm4b:s15+s4] =	stream.linear.scatter [tilespmem:s20], [sflag:$0x6], $0x2800, $0x38;
	[tilespmem:$0x1E000] =	vst v63  }
0x1af: {  	_ =	swait.ge [sflag:s25], $0x2800  }
0x1b0: {  	[sflag:s25] =	ssyncset.done $0x0  }
0x1b1: {  	[sflag:s25] =	ssyncadd.s32 $0xFFFFD800  }
0x1b2: {  	_ =	sfence.sel $0x180000  }
0x1b3: {  	[bflag:$0x0] =	sbarrier.arrive $0xFFFF  }
0x1b4: {  	_ =	strace $0x90000047  }
0x1b5: {  	s0 =	stileid.u32;
	[bflag:$0x2] =	sbarrier.arrive $0xFFFF  }
0x1b6: {  	p0 =	sne.s32 s0, $0x0;
	s0 =	rddreg [dreg:$0x5]  }
0x1b7: {  	s0 =	sadd.s32 @!p0 $0x100000, s0  }
0x1b8: {  	[sflag:s0] =	ssyncadd.tile.s32 @!p0 $0x1;
	_ =	shalt  }
.Lfunc_end2:
_tile_overlayer_lowered:
.L_overlay_start_2:
0x1b9: {  	(tag) =	ssettag $0x2  }
0x1ba: {  	s0 =	rddreg [dreg:$0x0];
	s2 =	stileid.u32  }
0x1bb: {  	s1 =	rddreg [dreg:$0x1];
	p0 =	sne.s32 s2, $0x0  }
0x1bc: {  	s3 =	rddreg [dreg:$0x2];
	[bflag:$0x3] =	sbarrier.arrive $0xFFFF;
	s2 =	simm.s32 @!p0 $0x1C06  }
0x1bd: {  	[timem:s3], [sflag:s2] =	dma.local @!p0 [hbm:s0], s1  }
0x1be: {  	s0 =	simm.s32 @!p0 $0x6  }
0x1bf: {  	_ =	swait.ge @!p0 [sflag:s0], s1  }
0x1c0: {  	s1 =	ssub.s32 @!p0 $0x0, s1;
	[sflag:s0] =	ssyncset.done @!p0 $0x0  }
0x1c1: {  	[sflag:s0] =	ssyncadd.s32 @!p0 s1  }
0x1c2: {  	[bflag:$0x3] =	sbarrier.arrive $0xFFFF  }
0x1c3: {  	_ =	shalt  }

</sc_bundles>
